<compile_context>
chip_gen: v7x
topology: tpu7x:2x2x1
jax: 0.10.2.dev20260603
libtpu: 0.0.44.dev20260713+nightly
codegen_flags: <defaults>
</compile_context>

<pallas_src>
import jax
import jax.numpy as jnp
from jax import lax
from jax.experimental import pallas as pl
from jax.experimental.pallas import tpu as pltpu
from jax.experimental.pallas import tpu_sc as plsc

N = 10000
NP = 10240
E = 320000
D = 128
NS = 16
NC = 2
CH = 80
NCHUNK = 250
RPT = NP // NS
CW = 16

_f32 = jnp.float32
_bf16 = jnp.bfloat16


def _dotT(x, w):
    return lax.dot_general(x, w, (((1,), (1,)), ((), ())),
                           preferred_element_type=_f32,
                           precision=lax.Precision.HIGHEST)



def _make_sc_segsum(with_counts):
    mesh = plsc.VectorSubcoreMesh(core_axis_name="c", subcore_axis_name="s",
                                  num_cores=NC, num_subcores=NS)
    out_type = [jax.ShapeDtypeStruct((NP, D), _bf16),
                jax.ShapeDtypeStruct((NP, D), _bf16)]
    scratch = [
        pltpu.VMEM((NCHUNK, CH), jnp.int32),
        pltpu.VMEM((NCHUNK, CH), jnp.int32),
        pltpu.VMEM((CH, D), _bf16),
        pltpu.VMEM((CH, D), _bf16),
        pltpu.VMEM_SHARED((NP, D), _bf16),
        pltpu.SemaphoreType.DMA,
        pltpu.SemaphoreType.DMA,
    ]
    if with_counts:
        out_type += [jax.ShapeDtypeStruct((NP, CW), _f32),
                     jax.ShapeDtypeStruct((NP, CW), _f32)]
        scratch += [
            pltpu.VMEM((CH, CW), _f32),
            pltpu.VMEM_SHARED((NP, CW), _f32),
        ]

    def body(y_ui, y_iu, src_ui, dst_ui, src_iu, dst_iu, zrow, zcnt, ones,
             *refs):
        if with_counts:
            (acc_ui, acc_iu, cnt_ui, cnt_iu,
             src_v, dst_v, buf0, buf1, acc_sh, sem0, sem1,
             ones_v, cnt_sh) = refs
        else:
            (acc_ui, acc_iu,
             src_v, dst_v, buf0, buf1, acc_sh, sem0, sem1) = refs
            cnt_ui = cnt_iu = ones_v = cnt_sh = None

        cid = lax.axis_index("c")
        sid = lax.axis_index("s")

        def run(src_hbm, dst_hbm, y_hbm, acc_out, cnt_out):
            rs = sid * RPT
            do_cnt = cnt_out is not None
            pltpu.sync_copy(src_hbm.at[sid], src_v)
            pltpu.sync_copy(dst_hbm.at[sid], dst_v)
            pltpu.sync_copy(zrow, acc_sh.at[pl.ds(rs, RPT)])
            if do_cnt:
                pltpu.sync_copy(ones, ones_v)
                pltpu.sync_copy(zcnt, cnt_sh.at[pl.ds(rs, RPT)])
            plsc.subcore_barrier()

            pltpu.async_copy(y_hbm.at[src_v.at[0]], buf0, sem0)

            def step(i, _):
                c0 = i * 2
                pltpu.async_copy(y_hbm.at[src_v.at[c0 + 1]], buf1, sem1)
                pltpu.make_async_copy(y_hbm.at[src_v.at[c0]], buf0,
                                      sem0).wait()
                pltpu.sync_copy(buf0, acc_sh.at[dst_v.at[c0]], add=True)
                if do_cnt:
                    pltpu.sync_copy(ones_v, cnt_sh.at[dst_v.at[c0]], add=True)

                @pl.when(c0 + 2 < NCHUNK)
                def _():
                    pltpu.async_copy(y_hbm.at[src_v.at[c0 + 2]], buf0, sem0)

                pltpu.make_async_copy(y_hbm.at[src_v.at[c0 + 1]], buf1,
                                      sem1).wait()
                pltpu.sync_copy(buf1, acc_sh.at[dst_v.at[c0 + 1]], add=True)
                if do_cnt:
                    pltpu.sync_copy(ones_v, cnt_sh.at[dst_v.at[c0 + 1]],
                                    add=True)
                return 0

            lax.fori_loop(0, NCHUNK // 2, step, 0)
            plsc.subcore_barrier()

            pltpu.sync_copy(acc_sh.at[pl.ds(rs, RPT)],
                            acc_out.at[pl.ds(rs, RPT)])
            if do_cnt:
                pltpu.sync_copy(cnt_sh.at[pl.ds(rs, RPT)],
                                cnt_out.at[pl.ds(rs, RPT)])

        @pl.when(cid == 0)
        def _():
            run(src_ui, dst_ui, y_ui, acc_ui, cnt_ui)

        @pl.when(cid == 1)
        def _():
            run(src_iu, dst_iu, y_iu, acc_iu, cnt_iu)

    return pl.kernel(body, out_type=out_type, mesh=mesh,
                     scratch_types=scratch,
                     compiler_params=pltpu.CompilerParams(
                         use_tc_tiling_on_sc=False))


_sc_segsum_cnt = _make_sc_segsum(True)
_sc_segsum = _make_sc_segsum(False)



_BR = 2000
_GRID = N // _BR

_row_spec = pl.BlockSpec((_BR, D), lambda i: (i, 0))
_cnt_spec = pl.BlockSpec((_BR, CW), lambda i: (i, 0))
_w_spec = pl.BlockSpec((D, D), lambda i: (0, 0))
_b_spec = pl.BlockSpec((1, D), lambda i: (0, 0))

_full_f32 = jax.ShapeDtypeStruct((N, D), _f32)
_full_bf16 = jax.ShapeDtypeStruct((N, D), _bf16)


def _pre_body(xu, w_ui, xi, w_iu, yu, yi):
    yu[...] = _dotT(xu[...], w_ui[...]).astype(_bf16)
    yi[...] = _dotT(xi[...], w_iu[...]).astype(_bf16)


_tc_pre = pl.pallas_call(
    _pre_body,
    grid=(_GRID,),
    in_specs=[_row_spec, _w_spec, _row_spec, _w_spec],
    out_specs=[_row_spec, _row_spec],
    out_shape=[_full_bf16, _full_bf16],
)


def _combine(acc, cnt, b, x_dst, w_r):
    inv = 1.0 / jnp.maximum(cnt[:, 0:1], 1.0)
    return jnp.maximum(acc.astype(_f32) * inv + b + _dotT(x_dst, w_r), 0.0)


def _mid_body(a_ui, cnt_ui, b_ui, xi, w_ui_r,
              a_iu, cnt_iu, b_iu, xu, w_iu_r,
              w2_ui_l, w2_iu_l,
              item1, user1, y2u, y2i):
    it1 = _combine(a_ui[...], cnt_ui[...], b_ui[...], xi[...], w_ui_r[...])
    us1 = _combine(a_iu[...], cnt_iu[...], b_iu[...], xu[...], w_iu_r[...])
    item1[...] = it1
    user1[...] = us1
    y2u[...] = _dotT(us1, w2_ui_l[...]).astype(_bf16)
    y2i[...] = _dotT(it1, w2_iu_l[...]).astype(_bf16)


_tc_mid = pl.pallas_call(
    _mid_body,
    grid=(_GRID,),
    in_specs=[_row_spec, _cnt_spec, _b_spec, _row_spec, _w_spec,
              _row_spec, _cnt_spec, _b_spec, _row_spec, _w_spec,
              _w_spec, _w_spec],
    out_specs=[_row_spec] * 4,
    out_shape=[_full_f32, _full_f32, _full_bf16, _full_bf16],
)


def _post_body(a_ui, cnt_ui, b_ui, item1, w_ui_r,
               a_iu, cnt_iu, b_iu, user1, w_iu_r,
               item2, user2):
    item2[...] = _combine(a_ui[...], cnt_ui[...], b_ui[...], item1[...],
                          w_ui_r[...])
    user2[...] = _combine(a_iu[...], cnt_iu[...], b_iu[...], user1[...],
                          w_iu_r[...])


_tc_post = pl.pallas_call(
    _post_body,
    grid=(_GRID,),
    in_specs=[_row_spec, _cnt_spec, _b_spec, _row_spec, _w_spec,
              _row_spec, _cnt_spec, _b_spec, _row_spec, _w_spec],
    out_specs=[_row_spec, _row_spec],
    out_shape=[_full_f32, _full_f32],
)



def kernel(x_user, x_item, edge_index_ui, edge_index_iu,
           W1_ui_l, b1_ui_l, W1_ui_r, W1_iu_l, b1_iu_l, W1_iu_r,
           W2_ui_l, b2_ui_l, W2_ui_r, W2_iu_l, b2_iu_l, W2_iu_r):
    src_ui = edge_index_ui[0].reshape(NS, NCHUNK, CH)
    dst_ui = edge_index_ui[1].reshape(NS, NCHUNK, CH)
    src_iu = edge_index_iu[0].reshape(NS, NCHUNK, CH)
    dst_iu = edge_index_iu[1].reshape(NS, NCHUNK, CH)

    zrow = jnp.zeros((RPT, D), _bf16)
    zcnt = jnp.zeros((RPT, CW), _f32)
    ones = jnp.ones((CH, CW), _f32)
    b1_ui = b1_ui_l.reshape(1, D)
    b1_iu = b1_iu_l.reshape(1, D)
    b2_ui = b2_ui_l.reshape(1, D)
    b2_iu = b2_iu_l.reshape(1, D)

    yu, yi = _tc_pre(x_user, W1_ui_l, x_item, W1_iu_l)
    a_ui, a_iu, cnt_ui, cnt_iu = _sc_segsum_cnt(
        yu, yi, src_ui, dst_ui, src_iu, dst_iu, zrow, zcnt, ones)
    item1, user1, y2u, y2i = _tc_mid(
        a_ui, cnt_ui, b1_ui, x_item, W1_ui_r,
        a_iu, cnt_iu, b1_iu, x_user, W1_iu_r,
        W2_ui_l, W2_iu_l)

    a2_ui, a2_iu = _sc_segsum(
        y2u, y2i, src_ui, dst_ui, src_iu, dst_iu, zrow, zcnt, ones)
    item2, user2 = _tc_post(
        a2_ui, cnt_ui, b2_ui, item1, W2_ui_r,
        a2_iu, cnt_iu, b2_iu, user1, W2_iu_r)

    return (user2, item2)

# --- scband reference (transcript-rebuilt; emitter-appended) ---
"""Pipeline reference for scband-graph-sage-31464930410651 (READ-ONLY COPY).

The authoritative reference and input builder live on the scoring server;
editing this copy changes nothing except your own understanding.
"""

import jax, jax.numpy as jnp
import numpy as np

N_USER = 10000
N_ITEM = 10000
E = 320000
D = 128
H = 128


def _glorot(key, shape, scale):
    return jax.random.normal(key, shape, dtype=jnp.float32) * scale


def setup_inputs(seed: int = 0) -> dict:
    key = jax.random.key(seed)
    ks = jax.random.split(key, 20)
    inp = {}
    inp["x_user"] = jax.random.normal(ks[0], (N_USER, D), dtype=jnp.float32)
    inp["x_item"] = jax.random.normal(ks[1], (N_ITEM, D), dtype=jnp.float32)
    inp["edge_index_ui"] = jax.random.randint(ks[2], (2, E), 0, N_USER).astype(jnp.int32)
    inp["edge_index_iu"] = jax.random.randint(ks[3], (2, E), 0, N_ITEM).astype(jnp.int32)
    s1 = 1.0 / np.sqrt(D)
    s2 = 1.0 / np.sqrt(H)
    # conv1: SAGEConv per relation (lin_l on aggregated neighbors w/ bias, lin_r on dst, no bias)
    inp["W1_ui_l"] = _glorot(ks[4], (H, D), s1)
    inp["b1_ui_l"] = jnp.zeros((H,), dtype=jnp.float32)
    inp["W1_ui_r"] = _glorot(ks[5], (H, D), s1)
    inp["W1_iu_l"] = _glorot(ks[6], (H, D), s1)
    inp["b1_iu_l"] = jnp.zeros((H,), dtype=jnp.float32)
    inp["W1_iu_r"] = _glorot(ks[7], (H, D), s1)
    # conv2
    inp["W2_ui_l"] = _glorot(ks[8], (H, H), s2)
    inp["b2_ui_l"] = jnp.zeros((H,), dtype=jnp.float32)
    inp["W2_ui_r"] = _glorot(ks[9], (H, H), s2)
    inp["W2_iu_l"] = _glorot(ks[10], (H, H), s2)
    inp["b2_iu_l"] = jnp.zeros((H,), dtype=jnp.float32)
    inp["W2_iu_r"] = _glorot(ks[11], (H, H), s2)
    return inp


def _sage_conv(x_src, x_dst, edge_index, W_l, b_l, W_r, n_dst):
    src = edge_index[0]
    dst = edge_index[1]
    msg = jnp.take(x_src, src, axis=0)
    agg = jax.ops.segment_sum(msg, dst, num_segments=n_dst)
    cnt = jax.ops.segment_sum(jnp.ones((dst.shape[0],), dtype=x_src.dtype), dst, num_segments=n_dst)
    agg = agg / jnp.clip(cnt, 1.0)[:, None]
    return agg @ W_l.T + b_l + x_dst @ W_r.T


def reference(x_user, x_item, edge_index_ui, edge_index_iu,
              W1_ui_l, b1_ui_l, W1_ui_r, W1_iu_l, b1_iu_l, W1_iu_r,
              W2_ui_l, b2_ui_l, W2_ui_r, W2_iu_l, b2_iu_l, W2_iu_r):
    # conv1 (HeteroConv over two relations, single relation per dst type)
    item1 = jax.nn.relu(_sage_conv(x_user, x_item, edge_index_ui, W1_ui_l, b1_ui_l, W1_ui_r, N_ITEM))
    user1 = jax.nn.relu(_sage_conv(x_item, x_user, edge_index_iu, W1_iu_l, b1_iu_l, W1_iu_r, N_USER))
    # dropout is identity in eval mode
    item2 = jax.nn.relu(_sage_conv(user1, item1, edge_index_ui, W2_ui_l, b2_ui_l, W2_ui_r, N_ITEM))
    user2 = jax.nn.relu(_sage_conv(item1, user1, edge_index_iu, W2_iu_l, b2_iu_l, W2_iu_r, N_USER))
    return (user2, item2)

if __name__ == "__main__":
    import jax
    _d = setup_inputs()
    print(jax.jit(kernel)(*tuple(_d.values())))

</pallas_src>

<mosaic_0001>
#map = affine_map<(d0, d1) -> (0, 0)>
#map1 = affine_map<(d0, d1) -> (0, 0, 0)>
module attributes {stable_mosaic.version = 14 : i64} {
  func.func @body(%arg0: i32, %arg1: i32, %arg2: memref<10000x128xbf16, #tpu.memory_space<hbm>>, %arg3: memref<10000x128xbf16, #tpu.memory_space<hbm>>, %arg4: memref<16x250x80xi32, #tpu.memory_space<hbm>>, %arg5: memref<16x250x80xi32, #tpu.memory_space<hbm>>, %arg6: memref<16x250x80xi32, #tpu.memory_space<hbm>>, %arg7: memref<16x250x80xi32, #tpu.memory_space<hbm>>, %arg8: memref<640x128xbf16, #tpu.memory_space<hbm>>, %arg9: memref<640x16xf32, #tpu.memory_space<hbm>>, %arg10: memref<80x16xf32, #tpu.memory_space<hbm>>, %arg11: memref<10240x128xbf16, #tpu.memory_space<hbm>>, %arg12: memref<10240x128xbf16, #tpu.memory_space<hbm>>, %arg13: memref<10240x16xf32, #tpu.memory_space<hbm>>, %arg14: memref<10240x16xf32, #tpu.memory_space<hbm>>, %arg15: memref<250x80xi32, #tpu.memory_space<vmem>>, %arg16: memref<250x80xi32, #tpu.memory_space<vmem>>, %arg17: memref<80x128xbf16, #tpu.memory_space<vmem>>, %arg18: memref<80x128xbf16, #tpu.memory_space<vmem>>, %arg19: memref<10240x128xbf16, #tpu.memory_space<vmem_shared>>, %arg20: memref<!tpu.dma_semaphore, #tpu.memory_space<semaphore_mem>>, %arg21: memref<!tpu.dma_semaphore, #tpu.memory_space<semaphore_mem>>, %arg22: memref<80x16xf32, #tpu.memory_space<vmem>>, %arg23: memref<10240x16xf32, #tpu.memory_space<vmem_shared>>) attributes {dimension_semantics = [#tpu.dimension_semantics<core_parallel>, #tpu.dimension_semantics<subcore_parallel>], iteration_bounds = array<i64: 2, 16>, scalar_prefetch = 0 : i64, scratch_operands = 9 : i64, tpu.core_type = #tpu.core_type<sc_vector_subcore>, window_params = [{transform_indices = #map}, {transform_indices = #map}, {transform_indices = #map1}, {transform_indices = #map1}, {transform_indices = #map1}, {transform_indices = #map1}, {transform_indices = #map}, {transform_indices = #map}, {transform_indices = #map}, {transform_indices = #map}, {transform_indices = #map}, {transform_indices = #map}, {transform_indices = #map}]} {
    %eq3A = arith.constant 0 : i32
    %eq3A_0 = arith.cmpi eq, %arg0, %eq3A : i32
    %convert_element_type3A = arith.extui %eq3A_0 : i1 to i32
    %cond3A = arith.constant 0 : i32
    %cond3A_1 = arith.cmpi ne, %convert_element_type3A, %cond3A : i32
    scf.if %cond3A_1 {
      %mul3A = arith.constant 640 : i32
      %mul3A_7 = arith.muli %arg1, %mul3A : i32
      "tpu.region"() ({
        %run_scoped3A = tpu.sem_alloc : memref<!tpu.dma_semaphore, #tpu.memory_space<semaphore_mem>>
        %dma_start3A_21 = arith.constant 0 : i32
        %dma_start3A_22 = arith.constant 0 : i32
        %dma_start3A_23 = tpu.memref_slice %arg4[%arg1, %dma_start3A_21, %dma_start3A_22] : memref<16x250x80xi32, #tpu.memory_space<hbm>> -> memref<1x250x80xi32, #tpu.memory_space<hbm>>
        %dma_start3A_24 = tpu.memref_squeeze %dma_start3A_23 : memref<1x250x80xi32, #tpu.memory_space<hbm>> -> memref<250x80xi32, #tpu.memory_space<hbm>>
        %dma_start3A_25 = arith.constant 0 : i32
        %dma_start3A_26 = arith.constant 0 : i32
        %dma_start3A_27 = tpu.memref_slice %arg4[%arg1, %dma_start3A_25, %dma_start3A_26] : memref<16x250x80xi32, #tpu.memory_space<hbm>> -> memref<1x250x80xi32, #tpu.memory_space<hbm>>
        %dma_start3A_28 = tpu.memref_squeeze %dma_start3A_27 : memref<1x250x80xi32, #tpu.memory_space<hbm>> -> memref<250x80xi32, #tpu.memory_space<hbm>>
        tpu.enqueue_dma source(%dma_start3A_28 : memref<250x80xi32, #tpu.memory_space<hbm>>) target(%arg15 : memref<250x80xi32, #tpu.memory_space<vmem>>) target_semaphore(%run_scoped3A : memref<!tpu.dma_semaphore, #tpu.memory_space<semaphore_mem>>)
        %dma_wait3A = arith.constant 0 : i32
        %dma_wait3A_29 = arith.constant 0 : i32
        %dma_wait3A_30 = tpu.memref_slice %arg4[%arg1, %dma_wait3A, %dma_wait3A_29] : memref<16x250x80xi32, #tpu.memory_space<hbm>> -> memref<1x250x80xi32, #tpu.memory_space<hbm>>
        %dma_wait3A_31 = tpu.memref_squeeze %dma_wait3A_30 : memref<1x250x80xi32, #tpu.memory_space<hbm>> -> memref<250x80xi32, #tpu.memory_space<hbm>>
        %dma_wait3A_32 = arith.constant 0 : i32
        %dma_wait3A_33 = arith.constant 0 : i32
        %dma_wait3A_34 = tpu.memref_slice %arg4[%arg1, %dma_wait3A_32, %dma_wait3A_33] : memref<16x250x80xi32, #tpu.memory_space<hbm>> -> memref<1x250x80xi32, #tpu.memory_space<hbm>>
        %dma_wait3A_35 = tpu.memref_squeeze %dma_wait3A_34 : memref<1x250x80xi32, #tpu.memory_space<hbm>> -> memref<250x80xi32, #tpu.memory_space<hbm>>
        tpu.wait_dma2 semaphore(%run_scoped3A : memref<!tpu.dma_semaphore, #tpu.memory_space<semaphore_mem>>) src(%dma_wait3A_35 : memref<250x80xi32, #tpu.memory_space<hbm>>) dst(%arg15 : memref<250x80xi32, #tpu.memory_space<vmem>>)
        tpu.yield
      }) : () -> ()
      "tpu.region"() ({
        %run_scoped3A = tpu.sem_alloc : memref<!tpu.dma_semaphore, #tpu.memory_space<semaphore_mem>>
        %dma_start3A_21 = arith.constant 0 : i32
        %dma_start3A_22 = arith.constant 0 : i32
        %dma_start3A_23 = tpu.memref_slice %arg5[%arg1, %dma_start3A_21, %dma_start3A_22] : memref<16x250x80xi32, #tpu.memory_space<hbm>> -> memref<1x250x80xi32, #tpu.memory_space<hbm>>
        %dma_start3A_24 = tpu.memref_squeeze %dma_start3A_23 : memref<1x250x80xi32, #tpu.memory_space<hbm>> -> memref<250x80xi32, #tpu.memory_space<hbm>>
        %dma_start3A_25 = arith.constant 0 : i32
        %dma_start3A_26 = arith.constant 0 : i32
        %dma_start3A_27 = tpu.memref_slice %arg5[%arg1, %dma_start3A_25, %dma_start3A_26] : memref<16x250x80xi32, #tpu.memory_space<hbm>> -> memref<1x250x80xi32, #tpu.memory_space<hbm>>
        %dma_start3A_28 = tpu.memref_squeeze %dma_start3A_27 : memref<1x250x80xi32, #tpu.memory_space<hbm>> -> memref<250x80xi32, #tpu.memory_space<hbm>>
        tpu.enqueue_dma source(%dma_start3A_28 : memref<250x80xi32, #tpu.memory_space<hbm>>) target(%arg16 : memref<250x80xi32, #tpu.memory_space<vmem>>) target_semaphore(%run_scoped3A : memref<!tpu.dma_semaphore, #tpu.memory_space<semaphore_mem>>)
        %dma_wait3A = arith.constant 0 : i32
        %dma_wait3A_29 = arith.constant 0 : i32
        %dma_wait3A_30 = tpu.memref_slice %arg5[%arg1, %dma_wait3A, %dma_wait3A_29] : memref<16x250x80xi32, #tpu.memory_space<hbm>> -> memref<1x250x80xi32, #tpu.memory_space<hbm>>
        %dma_wait3A_31 = tpu.memref_squeeze %dma_wait3A_30 : memref<1x250x80xi32, #tpu.memory_space<hbm>> -> memref<250x80xi32, #tpu.memory_space<hbm>>
        %dma_wait3A_32 = arith.constant 0 : i32
        %dma_wait3A_33 = arith.constant 0 : i32
        %dma_wait3A_34 = tpu.memref_slice %arg5[%arg1, %dma_wait3A_32, %dma_wait3A_33] : memref<16x250x80xi32, #tpu.memory_space<hbm>> -> memref<1x250x80xi32, #tpu.memory_space<hbm>>
        %dma_wait3A_35 = tpu.memref_squeeze %dma_wait3A_34 : memref<1x250x80xi32, #tpu.memory_space<hbm>> -> memref<250x80xi32, #tpu.memory_space<hbm>>
        tpu.wait_dma2 semaphore(%run_scoped3A : memref<!tpu.dma_semaphore, #tpu.memory_space<semaphore_mem>>) src(%dma_wait3A_35 : memref<250x80xi32, #tpu.memory_space<hbm>>) dst(%arg16 : memref<250x80xi32, #tpu.memory_space<vmem>>)
        tpu.yield
      }) : () -> ()
      "tpu.region"() ({
        %run_scoped3A = tpu.sem_alloc : memref<!tpu.dma_semaphore, #tpu.memory_space<semaphore_mem>>
        %dma_start3A_21 = arith.constant 0 : i32
        %dma_start3A_22 = tpu.memref_slice %arg19[%mul3A_7, %dma_start3A_21] : memref<10240x128xbf16, #tpu.memory_space<vmem_shared>> -> memref<640x128xbf16, #tpu.memory_space<vmem_shared>>
        tpu.enqueue_dma source(%arg8 : memref<640x128xbf16, #tpu.memory_space<hbm>>) target(%dma_start3A_22 : memref<640x128xbf16, #tpu.memory_space<vmem_shared>>) target_semaphore(%run_scoped3A : memref<!tpu.dma_semaphore, #tpu.memory_space<semaphore_mem>>)
        %dma_wait3A = arith.constant 0 : i32
        %dma_wait3A_23 = tpu.memref_slice %arg19[%mul3A_7, %dma_wait3A] : memref<10240x128xbf16, #tpu.memory_space<vmem_shared>> -> memref<640x128xbf16, #tpu.memory_space<vmem_shared>>
        tpu.wait_dma2 semaphore(%run_scoped3A : memref<!tpu.dma_semaphore, #tpu.memory_space<semaphore_mem>>) src(%arg8 : memref<640x128xbf16, #tpu.memory_space<hbm>>) dst(%dma_wait3A_23 : memref<640x128xbf16, #tpu.memory_space<vmem_shared>>)
        tpu.yield
      }) : () -> ()
      "tpu.region"() ({
        %run_scoped3A = tpu.sem_alloc : memref<!tpu.dma_semaphore, #tpu.memory_space<semaphore_mem>>
        tpu.enqueue_dma source(%arg10 : memref<80x16xf32, #tpu.memory_space<hbm>>) target(%arg22 : memref<80x16xf32, #tpu.memory_space<vmem>>) target_semaphore(%run_scoped3A : memref<!tpu.dma_semaphore, #tpu.memory_space<semaphore_mem>>)
        tpu.wait_dma2 semaphore(%run_scoped3A : memref<!tpu.dma_semaphore, #tpu.memory_space<semaphore_mem>>) src(%arg10 : memref<80x16xf32, #tpu.memory_space<hbm>>) dst(%arg22 : memref<80x16xf32, #tpu.memory_space<vmem>>)
        tpu.yield
      }) : () -> ()
      "tpu.region"() ({
        %run_scoped3A = tpu.sem_alloc : memref<!tpu.dma_semaphore, #tpu.memory_space<semaphore_mem>>
        %dma_start3A_21 = arith.constant 0 : i32
        %dma_start3A_22 = tpu.memref_slice %arg23[%mul3A_7, %dma_start3A_21] : memref<10240x16xf32, #tpu.memory_space<vmem_shared>> -> memref<640x16xf32, #tpu.memory_space<vmem_shared>>
        tpu.enqueue_dma source(%arg9 : memref<640x16xf32, #tpu.memory_space<hbm>>) target(%dma_start3A_22 : memref<640x16xf32, #tpu.memory_space<vmem_shared>>) target_semaphore(%run_scoped3A : memref<!tpu.dma_semaphore, #tpu.memory_space<semaphore_mem>>)
        %dma_wait3A = arith.constant 0 : i32
        %dma_wait3A_23 = tpu.memref_slice %arg23[%mul3A_7, %dma_wait3A] : memref<10240x16xf32, #tpu.memory_space<vmem_shared>> -> memref<640x16xf32, #tpu.memory_space<vmem_shared>>
        tpu.wait_dma2 semaphore(%run_scoped3A : memref<!tpu.dma_semaphore, #tpu.memory_space<semaphore_mem>>) src(%arg9 : memref<640x16xf32, #tpu.memory_space<hbm>>) dst(%dma_wait3A_23 : memref<640x16xf32, #tpu.memory_space<vmem_shared>>)
        tpu.yield
      }) : () -> ()
      %barrier3A = arith.constant 0 : index
      tpu.barrier barrier_id(%barrier3A)
      %dma_start3A = arith.constant 0 : i32
      %dma_start3A_8 = arith.constant 0 : i32
      %dma_start3A_9 = tpu.memref_slice %arg15[%dma_start3A, %dma_start3A_8] : memref<250x80xi32, #tpu.memory_space<vmem>> -> memref<1x80xi32, #tpu.memory_space<vmem>>
      %dma_start3A_10 = tpu.memref_squeeze %dma_start3A_9 : memref<1x80xi32, #tpu.memory_space<vmem>> -> memref<80xi32, #tpu.memory_space<vmem>>
      %dma_start3A_11 = arith.constant 0 : i32
      %dma_start3A_12 = arith.constant 0 : i32
      %dma_start3A_13 = tpu.memref_slice %arg2[%dma_start3A_11, %dma_start3A_12] : memref<10000x128xbf16, #tpu.memory_space<hbm>> -> memref<10000x128xbf16, #tpu.memory_space<hbm>>
      tpu.enqueue_indirect_dma source(%dma_start3A_13 : memref<10000x128xbf16, #tpu.memory_space<hbm>>) target(%arg17 : memref<80x128xbf16, #tpu.memory_space<vmem>>) offsets(%dma_start3A_10 : memref<80xi32, #tpu.memory_space<vmem>>) semaphore(%arg20 : memref<!tpu.dma_semaphore, #tpu.memory_space<semaphore_mem>>)
      %scan3A = arith.constant 0 : i32
      %scan3A_14 = arith.constant 0 : i32
      %scan3A_15 = arith.constant 125 : i32
      %scan3A_16 = arith.addi %scan3A_14, %scan3A_15 : i32
      %scan3A_17 = arith.constant 1 : i32
      %scan3A_18 = scf.for %scan3A_21 = %scan3A_14 to %scan3A_16 step %scan3A_17 iter_args(%scan3A_22 = %scan3A) -> (i32)  : i32 {
        %mul3A_23 = arith.constant 2 : i32
        %mul3A_24 = arith.muli %scan3A_21, %mul3A_23 : i32
        %add3A = arith.constant 1 : i32
        %add3A_25 = arith.addi %mul3A_24, %add3A : i32
        %dma_start3A_26 = arith.constant 0 : i32
        %dma_start3A_27 = tpu.memref_slice %arg15[%add3A_25, %dma_start3A_26] : memref<250x80xi32, #tpu.memory_space<vmem>> -> memref<1x80xi32, #tpu.memory_space<vmem>>
        %dma_start3A_28 = tpu.memref_squeeze %dma_start3A_27 : memref<1x80xi32, #tpu.memory_space<vmem>> -> memref<80xi32, #tpu.memory_space<vmem>>
        %dma_start3A_29 = arith.constant 0 : i32
        %dma_start3A_30 = arith.constant 0 : i32
        %dma_start3A_31 = tpu.memref_slice %arg2[%dma_start3A_29, %dma_start3A_30] : memref<10000x128xbf16, #tpu.memory_space<hbm>> -> memref<10000x128xbf16, #tpu.memory_space<hbm>>
        tpu.enqueue_indirect_dma source(%dma_start3A_31 : memref<10000x128xbf16, #tpu.memory_space<hbm>>) target(%arg18 : memref<80x128xbf16, #tpu.memory_space<vmem>>) offsets(%dma_start3A_28 : memref<80xi32, #tpu.memory_space<vmem>>) semaphore(%arg21 : memref<!tpu.dma_semaphore, #tpu.memory_space<semaphore_mem>>)
        %dma_wait3A = arith.constant 0 : i32
        %dma_wait3A_32 = tpu.memref_slice %arg15[%mul3A_24, %dma_wait3A] : memref<250x80xi32, #tpu.memory_space<vmem>> -> memref<1x80xi32, #tpu.memory_space<vmem>>
        %dma_wait3A_33 = tpu.memref_squeeze %dma_wait3A_32 : memref<1x80xi32, #tpu.memory_space<vmem>> -> memref<80xi32, #tpu.memory_space<vmem>>
        %dma_wait3A_34 = arith.constant 0 : i32
        %dma_wait3A_35 = arith.constant 0 : i32
        %dma_wait3A_36 = tpu.memref_slice %arg2[%dma_wait3A_34, %dma_wait3A_35] : memref<10000x128xbf16, #tpu.memory_space<hbm>> -> memref<10000x128xbf16, #tpu.memory_space<hbm>>
        tpu.wait_indirect_dma semaphore(%arg20 : memref<!tpu.dma_semaphore, #tpu.memory_space<semaphore_mem>>) src(%dma_wait3A_36 : memref<10000x128xbf16, #tpu.memory_space<hbm>>) dst(%arg17 : memref<80x128xbf16, #tpu.memory_space<vmem>>)
        "tpu.region"() ({
          %run_scoped3A = tpu.sem_alloc : memref<!tpu.dma_semaphore, #tpu.memory_space<semaphore_mem>>
          %dma_start3A_56 = arith.constant 0 : i32
          %dma_start3A_57 = tpu.memref_slice %arg16[%mul3A_24, %dma_start3A_56] : memref<250x80xi32, #tpu.memory_space<vmem>> -> memref<1x80xi32, #tpu.memory_space<vmem>>
          %dma_start3A_58 = tpu.memref_squeeze %dma_start3A_57 : memref<1x80xi32, #tpu.memory_space<vmem>> -> memref<80xi32, #tpu.memory_space<vmem>>
          %dma_start3A_59 = arith.constant 0 : i32
          %dma_start3A_60 = arith.constant 0 : i32
          %dma_start3A_61 = tpu.memref_slice %arg19[%dma_start3A_59, %dma_start3A_60] : memref<10240x128xbf16, #tpu.memory_space<vmem_shared>> -> memref<10240x128xbf16, #tpu.memory_space<vmem_shared>>
          tpu.enqueue_indirect_dma source(%arg17 : memref<80x128xbf16, #tpu.memory_space<vmem>>) target(%dma_start3A_61 : memref<10240x128xbf16, #tpu.memory_space<vmem_shared>>) offsets(%dma_start3A_58 : memref<80xi32, #tpu.memory_space<vmem>>) semaphore(%run_scoped3A : memref<!tpu.dma_semaphore, #tpu.memory_space<semaphore_mem>>) {add = true}
          %dma_wait3A_62 = arith.constant 0 : i32
          %dma_wait3A_63 = tpu.memref_slice %arg16[%mul3A_24, %dma_wait3A_62] : memref<250x80xi32, #tpu.memory_space<vmem>> -> memref<1x80xi32, #tpu.memory_space<vmem>>
          %dma_wait3A_64 = tpu.memref_squeeze %dma_wait3A_63 : memref<1x80xi32, #tpu.memory_space<vmem>> -> memref<80xi32, #tpu.memory_space<vmem>>
          %dma_wait3A_65 = arith.constant 0 : i32
          %dma_wait3A_66 = arith.constant 0 : i32
          %dma_wait3A_67 = tpu.memref_slice %arg19[%dma_wait3A_65, %dma_wait3A_66] : memref<10240x128xbf16, #tpu.memory_space<vmem_shared>> -> memref<10240x128xbf16, #tpu.memory_space<vmem_shared>>
          tpu.wait_indirect_dma semaphore(%run_scoped3A : memref<!tpu.dma_semaphore, #tpu.memory_space<semaphore_mem>>) src(%arg17 : memref<80x128xbf16, #tpu.memory_space<vmem>>) dst(%dma_wait3A_67 : memref<10240x128xbf16, #tpu.memory_space<vmem_shared>>)
          tpu.yield
        }) : () -> ()
        "tpu.region"() ({
          %run_scoped3A = tpu.sem_alloc : memref<!tpu.dma_semaphore, #tpu.memory_space<semaphore_mem>>
          %dma_start3A_56 = arith.constant 0 : i32
          %dma_start3A_57 = tpu.memref_slice %arg16[%mul3A_24, %dma_start3A_56] : memref<250x80xi32, #tpu.memory_space<vmem>> -> memref<1x80xi32, #tpu.memory_space<vmem>>
          %dma_start3A_58 = tpu.memref_squeeze %dma_start3A_57 : memref<1x80xi32, #tpu.memory_space<vmem>> -> memref<80xi32, #tpu.memory_space<vmem>>
          %dma_start3A_59 = arith.constant 0 : i32
          %dma_start3A_60 = arith.constant 0 : i32
          %dma_start3A_61 = tpu.memref_slice %arg23[%dma_start3A_59, %dma_start3A_60] : memref<10240x16xf32, #tpu.memory_space<vmem_shared>> -> memref<10240x16xf32, #tpu.memory_space<vmem_shared>>
          tpu.enqueue_indirect_dma source(%arg22 : memref<80x16xf32, #tpu.memory_space<vmem>>) target(%dma_start3A_61 : memref<10240x16xf32, #tpu.memory_space<vmem_shared>>) offsets(%dma_start3A_58 : memref<80xi32, #tpu.memory_space<vmem>>) semaphore(%run_scoped3A : memref<!tpu.dma_semaphore, #tpu.memory_space<semaphore_mem>>) {add = true}
          %dma_wait3A_62 = arith.constant 0 : i32
          %dma_wait3A_63 = tpu.memref_slice %arg16[%mul3A_24, %dma_wait3A_62] : memref<250x80xi32, #tpu.memory_space<vmem>> -> memref<1x80xi32, #tpu.memory_space<vmem>>
          %dma_wait3A_64 = tpu.memref_squeeze %dma_wait3A_63 : memref<1x80xi32, #tpu.memory_space<vmem>> -> memref<80xi32, #tpu.memory_space<vmem>>
          %dma_wait3A_65 = arith.constant 0 : i32
          %dma_wait3A_66 = arith.constant 0 : i32
          %dma_wait3A_67 = tpu.memref_slice %arg23[%dma_wait3A_65, %dma_wait3A_66] : memref<10240x16xf32, #tpu.memory_space<vmem_shared>> -> memref<10240x16xf32, #tpu.memory_space<vmem_shared>>
          tpu.wait_indirect_dma semaphore(%run_scoped3A : memref<!tpu.dma_semaphore, #tpu.memory_space<semaphore_mem>>) src(%arg22 : memref<80x16xf32, #tpu.memory_space<vmem>>) dst(%dma_wait3A_67 : memref<10240x16xf32, #tpu.memory_space<vmem_shared>>)
          tpu.yield
        }) : () -> ()
        %add3A_37 = arith.constant 2 : i32
        %add3A_38 = arith.addi %mul3A_24, %add3A_37 : i32
        %lt3A = arith.constant 250 : i32
        %lt3A_39 = arith.cmpi slt, %add3A_38, %lt3A : i32
        %convert_element_type3A_40 = arith.extui %lt3A_39 : i1 to i32
        %cond3A_41 = arith.constant 0 : i32
        %cond3A_42 = arith.cmpi ne, %convert_element_type3A_40, %cond3A_41 : i32
        scf.if %cond3A_42 {
          %add3A_56 = arith.constant 2 : i32
          %add3A_57 = arith.addi %mul3A_24, %add3A_56 : i32
          %dma_start3A_58 = arith.constant 0 : i32
          %dma_start3A_59 = tpu.memref_slice %arg15[%add3A_57, %dma_start3A_58] : memref<250x80xi32, #tpu.memory_space<vmem>> -> memref<1x80xi32, #tpu.memory_space<vmem>>
          %dma_start3A_60 = tpu.memref_squeeze %dma_start3A_59 : memref<1x80xi32, #tpu.memory_space<vmem>> -> memref<80xi32, #tpu.memory_space<vmem>>
          %dma_start3A_61 = arith.constant 0 : i32
          %dma_start3A_62 = arith.constant 0 : i32
          %dma_start3A_63 = tpu.memref_slice %arg2[%dma_start3A_61, %dma_start3A_62] : memref<10000x128xbf16, #tpu.memory_space<hbm>> -> memref<10000x128xbf16, #tpu.memory_space<hbm>>
          tpu.enqueue_indirect_dma source(%dma_start3A_63 : memref<10000x128xbf16, #tpu.memory_space<hbm>>) target(%arg17 : memref<80x128xbf16, #tpu.memory_space<vmem>>) offsets(%dma_start3A_60 : memref<80xi32, #tpu.memory_space<vmem>>) semaphore(%arg20 : memref<!tpu.dma_semaphore, #tpu.memory_space<semaphore_mem>>)
        } else {
        }
        %add3A_43 = arith.constant 1 : i32
        %add3A_44 = arith.addi %mul3A_24, %add3A_43 : i32
        %dma_wait3A_45 = arith.constant 0 : i32
        %dma_wait3A_46 = tpu.memref_slice %arg15[%add3A_44, %dma_wait3A_45] : memref<250x80xi32, #tpu.memory_space<vmem>> -> memref<1x80xi32, #tpu.memory_space<vmem>>
        %dma_wait3A_47 = tpu.memref_squeeze %dma_wait3A_46 : memref<1x80xi32, #tpu.memory_space<vmem>> -> memref<80xi32, #tpu.memory_space<vmem>>
        %dma_wait3A_48 = arith.constant 0 : i32
        %dma_wait3A_49 = arith.constant 0 : i32
        %dma_wait3A_50 = tpu.memref_slice %arg2[%dma_wait3A_48, %dma_wait3A_49] : memref<10000x128xbf16, #tpu.memory_space<hbm>> -> memref<10000x128xbf16, #tpu.memory_space<hbm>>
        tpu.wait_indirect_dma semaphore(%arg21 : memref<!tpu.dma_semaphore, #tpu.memory_space<semaphore_mem>>) src(%dma_wait3A_50 : memref<10000x128xbf16, #tpu.memory_space<hbm>>) dst(%arg18 : memref<80x128xbf16, #tpu.memory_space<vmem>>)
        %add3A_51 = arith.constant 1 : i32
        %add3A_52 = arith.addi %mul3A_24, %add3A_51 : i32
        "tpu.region"() ({
          %run_scoped3A = tpu.sem_alloc : memref<!tpu.dma_semaphore, #tpu.memory_space<semaphore_mem>>
          %dma_start3A_56 = arith.constant 0 : i32
          %dma_start3A_57 = tpu.memref_slice %arg16[%add3A_52, %dma_start3A_56] : memref<250x80xi32, #tpu.memory_space<vmem>> -> memref<1x80xi32, #tpu.memory_space<vmem>>
          %dma_start3A_58 = tpu.memref_squeeze %dma_start3A_57 : memref<1x80xi32, #tpu.memory_space<vmem>> -> memref<80xi32, #tpu.memory_space<vmem>>
          %dma_start3A_59 = arith.constant 0 : i32
          %dma_start3A_60 = arith.constant 0 : i32
          %dma_start3A_61 = tpu.memref_slice %arg19[%dma_start3A_59, %dma_start3A_60] : memref<10240x128xbf16, #tpu.memory_space<vmem_shared>> -> memref<10240x128xbf16, #tpu.memory_space<vmem_shared>>
          tpu.enqueue_indirect_dma source(%arg18 : memref<80x128xbf16, #tpu.memory_space<vmem>>) target(%dma_start3A_61 : memref<10240x128xbf16, #tpu.memory_space<vmem_shared>>) offsets(%dma_start3A_58 : memref<80xi32, #tpu.memory_space<vmem>>) semaphore(%run_scoped3A : memref<!tpu.dma_semaphore, #tpu.memory_space<semaphore_mem>>) {add = true}
          %dma_wait3A_62 = arith.constant 0 : i32
          %dma_wait3A_63 = tpu.memref_slice %arg16[%add3A_52, %dma_wait3A_62] : memref<250x80xi32, #tpu.memory_space<vmem>> -> memref<1x80xi32, #tpu.memory_space<vmem>>
          %dma_wait3A_64 = tpu.memref_squeeze %dma_wait3A_63 : memref<1x80xi32, #tpu.memory_space<vmem>> -> memref<80xi32, #tpu.memory_space<vmem>>
          %dma_wait3A_65 = arith.constant 0 : i32
          %dma_wait3A_66 = arith.constant 0 : i32
          %dma_wait3A_67 = tpu.memref_slice %arg19[%dma_wait3A_65, %dma_wait3A_66] : memref<10240x128xbf16, #tpu.memory_space<vmem_shared>> -> memref<10240x128xbf16, #tpu.memory_space<vmem_shared>>
          tpu.wait_indirect_dma semaphore(%run_scoped3A : memref<!tpu.dma_semaphore, #tpu.memory_space<semaphore_mem>>) src(%arg18 : memref<80x128xbf16, #tpu.memory_space<vmem>>) dst(%dma_wait3A_67 : memref<10240x128xbf16, #tpu.memory_space<vmem_shared>>)
          tpu.yield
        }) : () -> ()
        %add3A_53 = arith.constant 1 : i32
        %add3A_54 = arith.addi %mul3A_24, %add3A_53 : i32
        "tpu.region"() ({
          %run_scoped3A = tpu.sem_alloc : memref<!tpu.dma_semaphore, #tpu.memory_space<semaphore_mem>>
          %dma_start3A_56 = arith.constant 0 : i32
          %dma_start3A_57 = tpu.memref_slice %arg16[%add3A_54, %dma_start3A_56] : memref<250x80xi32, #tpu.memory_space<vmem>> -> memref<1x80xi32, #tpu.memory_space<vmem>>
          %dma_start3A_58 = tpu.memref_squeeze %dma_start3A_57 : memref<1x80xi32, #tpu.memory_space<vmem>> -> memref<80xi32, #tpu.memory_space<vmem>>
          %dma_start3A_59 = arith.constant 0 : i32
          %dma_start3A_60 = arith.constant 0 : i32
          %dma_start3A_61 = tpu.memref_slice %arg23[%dma_start3A_59, %dma_start3A_60] : memref<10240x16xf32, #tpu.memory_space<vmem_shared>> -> memref<10240x16xf32, #tpu.memory_space<vmem_shared>>
          tpu.enqueue_indirect_dma source(%arg22 : memref<80x16xf32, #tpu.memory_space<vmem>>) target(%dma_start3A_61 : memref<10240x16xf32, #tpu.memory_space<vmem_shared>>) offsets(%dma_start3A_58 : memref<80xi32, #tpu.memory_space<vmem>>) semaphore(%run_scoped3A : memref<!tpu.dma_semaphore, #tpu.memory_space<semaphore_mem>>) {add = true}
          %dma_wait3A_62 = arith.constant 0 : i32
          %dma_wait3A_63 = tpu.memref_slice %arg16[%add3A_54, %dma_wait3A_62] : memref<250x80xi32, #tpu.memory_space<vmem>> -> memref<1x80xi32, #tpu.memory_space<vmem>>
          %dma_wait3A_64 = tpu.memref_squeeze %dma_wait3A_63 : memref<1x80xi32, #tpu.memory_space<vmem>> -> memref<80xi32, #tpu.memory_space<vmem>>
          %dma_wait3A_65 = arith.constant 0 : i32
          %dma_wait3A_66 = arith.constant 0 : i32
          %dma_wait3A_67 = tpu.memref_slice %arg23[%dma_wait3A_65, %dma_wait3A_66] : memref<10240x16xf32, #tpu.memory_space<vmem_shared>> -> memref<10240x16xf32, #tpu.memory_space<vmem_shared>>
          tpu.wait_indirect_dma semaphore(%run_scoped3A : memref<!tpu.dma_semaphore, #tpu.memory_space<semaphore_mem>>) src(%arg22 : memref<80x16xf32, #tpu.memory_space<vmem>>) dst(%dma_wait3A_67 : memref<10240x16xf32, #tpu.memory_space<vmem_shared>>)
          tpu.yield
        }) : () -> ()
        %scan3A_55 = arith.constant 0 : i32
        scf.yield %scan3A_55 : i32
      }
      %scan3A_19 = arith.constant 125 : i32
      %barrier3A_20 = arith.constant 0 : index
      tpu.barrier barrier_id(%barrier3A_20)
      "tpu.region"() ({
        %run_scoped3A = tpu.sem_alloc : memref<!tpu.dma_semaphore, #tpu.memory_space<semaphore_mem>>
        %dma_start3A_21 = arith.constant 0 : i32
        %dma_start3A_22 = tpu.memref_slice %arg11[%mul3A_7, %dma_start3A_21] : memref<10240x128xbf16, #tpu.memory_space<hbm>> -> memref<640x128xbf16, #tpu.memory_space<hbm>>
        %dma_start3A_23 = arith.constant 0 : i32
        %dma_start3A_24 = tpu.memref_slice %arg19[%mul3A_7, %dma_start3A_23] : memref<10240x128xbf16, #tpu.memory_space<vmem_shared>> -> memref<640x128xbf16, #tpu.memory_space<vmem_shared>>
        tpu.enqueue_dma source(%dma_start3A_24 : memref<640x128xbf16, #tpu.memory_space<vmem_shared>>) target(%dma_start3A_22 : memref<640x128xbf16, #tpu.memory_space<hbm>>) target_semaphore(%run_scoped3A : memref<!tpu.dma_semaphore, #tpu.memory_space<semaphore_mem>>)
        %dma_wait3A = arith.constant 0 : i32
        %dma_wait3A_25 = tpu.memref_slice %arg11[%mul3A_7, %dma_wait3A] : memref<10240x128xbf16, #tpu.memory_space<hbm>> -> memref<640x128xbf16, #tpu.memory_space<hbm>>
        %dma_wait3A_26 = arith.constant 0 : i32
        %dma_wait3A_27 = tpu.memref_slice %arg19[%mul3A_7, %dma_wait3A_26] : memref<10240x128xbf16, #tpu.memory_space<vmem_shared>> -> memref<640x128xbf16, #tpu.memory_space<vmem_shared>>
        tpu.wait_dma2 semaphore(%run_scoped3A : memref<!tpu.dma_semaphore, #tpu.memory_space<semaphore_mem>>) src(%dma_wait3A_27 : memref<640x128xbf16, #tpu.memory_space<vmem_shared>>) dst(%dma_wait3A_25 : memref<640x128xbf16, #tpu.memory_space<hbm>>)
        tpu.yield
      }) : () -> ()
      "tpu.region"() ({
        %run_scoped3A = tpu.sem_alloc : memref<!tpu.dma_semaphore, #tpu.memory_space<semaphore_mem>>
        %dma_start3A_21 = arith.constant 0 : i32
        %dma_start3A_22 = tpu.memref_slice %arg13[%mul3A_7, %dma_start3A_21] : memref<10240x16xf32, #tpu.memory_space<hbm>> -> memref<640x16xf32, #tpu.memory_space<hbm>>
        %dma_start3A_23 = arith.constant 0 : i32
        %dma_start3A_24 = tpu.memref_slice %arg23[%mul3A_7, %dma_start3A_23] : memref<10240x16xf32, #tpu.memory_space<vmem_shared>> -> memref<640x16xf32, #tpu.memory_space<vmem_shared>>
        tpu.enqueue_dma source(%dma_start3A_24 : memref<640x16xf32, #tpu.memory_space<vmem_shared>>) target(%dma_start3A_22 : memref<640x16xf32, #tpu.memory_space<hbm>>) target_semaphore(%run_scoped3A : memref<!tpu.dma_semaphore, #tpu.memory_space<semaphore_mem>>)
        %dma_wait3A = arith.constant 0 : i32
        %dma_wait3A_25 = tpu.memref_slice %arg13[%mul3A_7, %dma_wait3A] : memref<10240x16xf32, #tpu.memory_space<hbm>> -> memref<640x16xf32, #tpu.memory_space<hbm>>
        %dma_wait3A_26 = arith.constant 0 : i32
        %dma_wait3A_27 = tpu.memref_slice %arg23[%mul3A_7, %dma_wait3A_26] : memref<10240x16xf32, #tpu.memory_space<vmem_shared>> -> memref<640x16xf32, #tpu.memory_space<vmem_shared>>
        tpu.wait_dma2 semaphore(%run_scoped3A : memref<!tpu.dma_semaphore, #tpu.memory_space<semaphore_mem>>) src(%dma_wait3A_27 : memref<640x16xf32, #tpu.memory_space<vmem_shared>>) dst(%dma_wait3A_25 : memref<640x16xf32, #tpu.memory_space<hbm>>)
        tpu.yield
      }) : () -> ()
    } else {
    }
    %eq3A_2 = arith.constant 1 : i32
    %eq3A_3 = arith.cmpi eq, %arg0, %eq3A_2 : i32
    %convert_element_type3A_4 = arith.extui %eq3A_3 : i1 to i32
    %cond3A_5 = arith.constant 0 : i32
    %cond3A_6 = arith.cmpi ne, %convert_element_type3A_4, %cond3A_5 : i32
    scf.if %cond3A_6 {
      %mul3A = arith.constant 640 : i32
      %mul3A_7 = arith.muli %arg1, %mul3A : i32
      "tpu.region"() ({
        %run_scoped3A = tpu.sem_alloc : memref<!tpu.dma_semaphore, #tpu.memory_space<semaphore_mem>>
        %dma_start3A_21 = arith.constant 0 : i32
        %dma_start3A_22 = arith.constant 0 : i32
        %dma_start3A_23 = tpu.memref_slice %arg6[%arg1, %dma_start3A_21, %dma_start3A_22] : memref<16x250x80xi32, #tpu.memory_space<hbm>> -> memref<1x250x80xi32, #tpu.memory_space<hbm>>
        %dma_start3A_24 = tpu.memref_squeeze %dma_start3A_23 : memref<1x250x80xi32, #tpu.memory_space<hbm>> -> memref<250x80xi32, #tpu.memory_space<hbm>>
        %dma_start3A_25 = arith.constant 0 : i32
        %dma_start3A_26 = arith.constant 0 : i32
        %dma_start3A_27 = tpu.memref_slice %arg6[%arg1, %dma_start3A_25, %dma_start3A_26] : memref<16x250x80xi32, #tpu.memory_space<hbm>> -> memref<1x250x80xi32, #tpu.memory_space<hbm>>
        %dma_start3A_28 = tpu.memref_squeeze %dma_start3A_27 : memref<1x250x80xi32, #tpu.memory_space<hbm>> -> memref<250x80xi32, #tpu.memory_space<hbm>>
        tpu.enqueue_dma source(%dma_start3A_28 : memref<250x80xi32, #tpu.memory_space<hbm>>) target(%arg15 : memref<250x80xi32, #tpu.memory_space<vmem>>) target_semaphore(%run_scoped3A : memref<!tpu.dma_semaphore, #tpu.memory_space<semaphore_mem>>)
        %dma_wait3A = arith.constant 0 : i32
        %dma_wait3A_29 = arith.constant 0 : i32
        %dma_wait3A_30 = tpu.memref_slice %arg6[%arg1, %dma_wait3A, %dma_wait3A_29] : memref<16x250x80xi32, #tpu.memory_space<hbm>> -> memref<1x250x80xi32, #tpu.memory_space<hbm>>
        %dma_wait3A_31 = tpu.memref_squeeze %dma_wait3A_30 : memref<1x250x80xi32, #tpu.memory_space<hbm>> -> memref<250x80xi32, #tpu.memory_space<hbm>>
        %dma_wait3A_32 = arith.constant 0 : i32
        %dma_wait3A_33 = arith.constant 0 : i32
        %dma_wait3A_34 = tpu.memref_slice %arg6[%arg1, %dma_wait3A_32, %dma_wait3A_33] : memref<16x250x80xi32, #tpu.memory_space<hbm>> -> memref<1x250x80xi32, #tpu.memory_space<hbm>>
        %dma_wait3A_35 = tpu.memref_squeeze %dma_wait3A_34 : memref<1x250x80xi32, #tpu.memory_space<hbm>> -> memref<250x80xi32, #tpu.memory_space<hbm>>
        tpu.wait_dma2 semaphore(%run_scoped3A : memref<!tpu.dma_semaphore, #tpu.memory_space<semaphore_mem>>) src(%dma_wait3A_35 : memref<250x80xi32, #tpu.memory_space<hbm>>) dst(%arg15 : memref<250x80xi32, #tpu.memory_space<vmem>>)
        tpu.yield
      }) : () -> ()
      "tpu.region"() ({
        %run_scoped3A = tpu.sem_alloc : memref<!tpu.dma_semaphore, #tpu.memory_space<semaphore_mem>>
        %dma_start3A_21 = arith.constant 0 : i32
        %dma_start3A_22 = arith.constant 0 : i32
        %dma_start3A_23 = tpu.memref_slice %arg7[%arg1, %dma_start3A_21, %dma_start3A_22] : memref<16x250x80xi32, #tpu.memory_space<hbm>> -> memref<1x250x80xi32, #tpu.memory_space<hbm>>
        %dma_start3A_24 = tpu.memref_squeeze %dma_start3A_23 : memref<1x250x80xi32, #tpu.memory_space<hbm>> -> memref<250x80xi32, #tpu.memory_space<hbm>>
        %dma_start3A_25 = arith.constant 0 : i32
        %dma_start3A_26 = arith.constant 0 : i32
        %dma_start3A_27 = tpu.memref_slice %arg7[%arg1, %dma_start3A_25, %dma_start3A_26] : memref<16x250x80xi32, #tpu.memory_space<hbm>> -> memref<1x250x80xi32, #tpu.memory_space<hbm>>
        %dma_start3A_28 = tpu.memref_squeeze %dma_start3A_27 : memref<1x250x80xi32, #tpu.memory_space<hbm>> -> memref<250x80xi32, #tpu.memory_space<hbm>>
        tpu.enqueue_dma source(%dma_start3A_28 : memref<250x80xi32, #tpu.memory_space<hbm>>) target(%arg16 : memref<250x80xi32, #tpu.memory_space<vmem>>) target_semaphore(%run_scoped3A : memref<!tpu.dma_semaphore, #tpu.memory_space<semaphore_mem>>)
        %dma_wait3A = arith.constant 0 : i32
        %dma_wait3A_29 = arith.constant 0 : i32
        %dma_wait3A_30 = tpu.memref_slice %arg7[%arg1, %dma_wait3A, %dma_wait3A_29] : memref<16x250x80xi32, #tpu.memory_space<hbm>> -> memref<1x250x80xi32, #tpu.memory_space<hbm>>
        %dma_wait3A_31 = tpu.memref_squeeze %dma_wait3A_30 : memref<1x250x80xi32, #tpu.memory_space<hbm>> -> memref<250x80xi32, #tpu.memory_space<hbm>>
        %dma_wait3A_32 = arith.constant 0 : i32
        %dma_wait3A_33 = arith.constant 0 : i32
        %dma_wait3A_34 = tpu.memref_slice %arg7[%arg1, %dma_wait3A_32, %dma_wait3A_33] : memref<16x250x80xi32, #tpu.memory_space<hbm>> -> memref<1x250x80xi32, #tpu.memory_space<hbm>>
        %dma_wait3A_35 = tpu.memref_squeeze %dma_wait3A_34 : memref<1x250x80xi32, #tpu.memory_space<hbm>> -> memref<250x80xi32, #tpu.memory_space<hbm>>
        tpu.wait_dma2 semaphore(%run_scoped3A : memref<!tpu.dma_semaphore, #tpu.memory_space<semaphore_mem>>) src(%dma_wait3A_35 : memref<250x80xi32, #tpu.memory_space<hbm>>) dst(%arg16 : memref<250x80xi32, #tpu.memory_space<vmem>>)
        tpu.yield
      }) : () -> ()
      "tpu.region"() ({
        %run_scoped3A = tpu.sem_alloc : memref<!tpu.dma_semaphore, #tpu.memory_space<semaphore_mem>>
        %dma_start3A_21 = arith.constant 0 : i32
        %dma_start3A_22 = tpu.memref_slice %arg19[%mul3A_7, %dma_start3A_21] : memref<10240x128xbf16, #tpu.memory_space<vmem_shared>> -> memref<640x128xbf16, #tpu.memory_space<vmem_shared>>
        tpu.enqueue_dma source(%arg8 : memref<640x128xbf16, #tpu.memory_space<hbm>>) target(%dma_start3A_22 : memref<640x128xbf16, #tpu.memory_space<vmem_shared>>) target_semaphore(%run_scoped3A : memref<!tpu.dma_semaphore, #tpu.memory_space<semaphore_mem>>)
        %dma_wait3A = arith.constant 0 : i32
        %dma_wait3A_23 = tpu.memref_slice %arg19[%mul3A_7, %dma_wait3A] : memref<10240x128xbf16, #tpu.memory_space<vmem_shared>> -> memref<640x128xbf16, #tpu.memory_space<vmem_shared>>
        tpu.wait_dma2 semaphore(%run_scoped3A : memref<!tpu.dma_semaphore, #tpu.memory_space<semaphore_mem>>) src(%arg8 : memref<640x128xbf16, #tpu.memory_space<hbm>>) dst(%dma_wait3A_23 : memref<640x128xbf16, #tpu.memory_space<vmem_shared>>)
        tpu.yield
      }) : () -> ()
      "tpu.region"() ({
        %run_scoped3A = tpu.sem_alloc : memref<!tpu.dma_semaphore, #tpu.memory_space<semaphore_mem>>
        tpu.enqueue_dma source(%arg10 : memref<80x16xf32, #tpu.memory_space<hbm>>) target(%arg22 : memref<80x16xf32, #tpu.memory_space<vmem>>) target_semaphore(%run_scoped3A : memref<!tpu.dma_semaphore, #tpu.memory_space<semaphore_mem>>)
        tpu.wait_dma2 semaphore(%run_scoped3A : memref<!tpu.dma_semaphore, #tpu.memory_space<semaphore_mem>>) src(%arg10 : memref<80x16xf32, #tpu.memory_space<hbm>>) dst(%arg22 : memref<80x16xf32, #tpu.memory_space<vmem>>)
        tpu.yield
      }) : () -> ()
      "tpu.region"() ({
        %run_scoped3A = tpu.sem_alloc : memref<!tpu.dma_semaphore, #tpu.memory_space<semaphore_mem>>
        %dma_start3A_21 = arith.constant 0 : i32
        %dma_start3A_22 = tpu.memref_slice %arg23[%mul3A_7, %dma_start3A_21] : memref<10240x16xf32, #tpu.memory_space<vmem_shared>> -> memref<640x16xf32, #tpu.memory_space<vmem_shared>>
        tpu.enqueue_dma source(%arg9 : memref<640x16xf32, #tpu.memory_space<hbm>>) target(%dma_start3A_22 : memref<640x16xf32, #tpu.memory_space<vmem_shared>>) target_semaphore(%run_scoped3A : memref<!tpu.dma_semaphore, #tpu.memory_space<semaphore_mem>>)
        %dma_wait3A = arith.constant 0 : i32
        %dma_wait3A_23 = tpu.memref_slice %arg23[%mul3A_7, %dma_wait3A] : memref<10240x16xf32, #tpu.memory_space<vmem_shared>> -> memref<640x16xf32, #tpu.memory_space<vmem_shared>>
        tpu.wait_dma2 semaphore(%run_scoped3A : memref<!tpu.dma_semaphore, #tpu.memory_space<semaphore_mem>>) src(%arg9 : memref<640x16xf32, #tpu.memory_space<hbm>>) dst(%dma_wait3A_23 : memref<640x16xf32, #tpu.memory_space<vmem_shared>>)
        tpu.yield
      }) : () -> ()
      %barrier3A = arith.constant 0 : index
      tpu.barrier barrier_id(%barrier3A)
      %dma_start3A = arith.constant 0 : i32
      %dma_start3A_8 = arith.constant 0 : i32
      %dma_start3A_9 = tpu.memref_slice %arg15[%dma_start3A, %dma_start3A_8] : memref<250x80xi32, #tpu.memory_space<vmem>> -> memref<1x80xi32, #tpu.memory_space<vmem>>
      %dma_start3A_10 = tpu.memref_squeeze %dma_start3A_9 : memref<1x80xi32, #tpu.memory_space<vmem>> -> memref<80xi32, #tpu.memory_space<vmem>>
      %dma_start3A_11 = arith.constant 0 : i32
      %dma_start3A_12 = arith.constant 0 : i32
      %dma_start3A_13 = tpu.memref_slice %arg3[%dma_start3A_11, %dma_start3A_12] : memref<10000x128xbf16, #tpu.memory_space<hbm>> -> memref<10000x128xbf16, #tpu.memory_space<hbm>>
      tpu.enqueue_indirect_dma source(%dma_start3A_13 : memref<10000x128xbf16, #tpu.memory_space<hbm>>) target(%arg17 : memref<80x128xbf16, #tpu.memory_space<vmem>>) offsets(%dma_start3A_10 : memref<80xi32, #tpu.memory_space<vmem>>) semaphore(%arg20 : memref<!tpu.dma_semaphore, #tpu.memory_space<semaphore_mem>>)
      %scan3A = arith.constant 0 : i32
      %scan3A_14 = arith.constant 0 : i32
      %scan3A_15 = arith.constant 125 : i32
      %scan3A_16 = arith.addi %scan3A_14, %scan3A_15 : i32
      %scan3A_17 = arith.constant 1 : i32
      %scan3A_18 = scf.for %scan3A_21 = %scan3A_14 to %scan3A_16 step %scan3A_17 iter_args(%scan3A_22 = %scan3A) -> (i32)  : i32 {
        %mul3A_23 = arith.constant 2 : i32
        %mul3A_24 = arith.muli %scan3A_21, %mul3A_23 : i32
        %add3A = arith.constant 1 : i32
        %add3A_25 = arith.addi %mul3A_24, %add3A : i32
        %dma_start3A_26 = arith.constant 0 : i32
        %dma_start3A_27 = tpu.memref_slice %arg15[%add3A_25, %dma_start3A_26] : memref<250x80xi32, #tpu.memory_space<vmem>> -> memref<1x80xi32, #tpu.memory_space<vmem>>
        %dma_start3A_28 = tpu.memref_squeeze %dma_start3A_27 : memref<1x80xi32, #tpu.memory_space<vmem>> -> memref<80xi32, #tpu.memory_space<vmem>>
        %dma_start3A_29 = arith.constant 0 : i32
        %dma_start3A_30 = arith.constant 0 : i32
        %dma_start3A_31 = tpu.memref_slice %arg3[%dma_start3A_29, %dma_start3A_30] : memref<10000x128xbf16, #tpu.memory_space<hbm>> -> memref<10000x128xbf16, #tpu.memory_space<hbm>>
        tpu.enqueue_indirect_dma source(%dma_start3A_31 : memref<10000x128xbf16, #tpu.memory_space<hbm>>) target(%arg18 : memref<80x128xbf16, #tpu.memory_space<vmem>>) offsets(%dma_start3A_28 : memref<80xi32, #tpu.memory_space<vmem>>) semaphore(%arg21 : memref<!tpu.dma_semaphore, #tpu.memory_space<semaphore_mem>>)
        %dma_wait3A = arith.constant 0 : i32
        %dma_wait3A_32 = tpu.memref_slice %arg15[%mul3A_24, %dma_wait3A] : memref<250x80xi32, #tpu.memory_space<vmem>> -> memref<1x80xi32, #tpu.memory_space<vmem>>
        %dma_wait3A_33 = tpu.memref_squeeze %dma_wait3A_32 : memref<1x80xi32, #tpu.memory_space<vmem>> -> memref<80xi32, #tpu.memory_space<vmem>>
        %dma_wait3A_34 = arith.constant 0 : i32
        %dma_wait3A_35 = arith.constant 0 : i32
        %dma_wait3A_36 = tpu.memref_slice %arg3[%dma_wait3A_34, %dma_wait3A_35] : memref<10000x128xbf16, #tpu.memory_space<hbm>> -> memref<10000x128xbf16, #tpu.memory_space<hbm>>
        tpu.wait_indirect_dma semaphore(%arg20 : memref<!tpu.dma_semaphore, #tpu.memory_space<semaphore_mem>>) src(%dma_wait3A_36 : memref<10000x128xbf16, #tpu.memory_space<hbm>>) dst(%arg17 : memref<80x128xbf16, #tpu.memory_space<vmem>>)
        "tpu.region"() ({
          %run_scoped3A = tpu.sem_alloc : memref<!tpu.dma_semaphore, #tpu.memory_space<semaphore_mem>>
          %dma_start3A_56 = arith.constant 0 : i32
          %dma_start3A_57 = tpu.memref_slice %arg16[%mul3A_24, %dma_start3A_56] : memref<250x80xi32, #tpu.memory_space<vmem>> -> memref<1x80xi32, #tpu.memory_space<vmem>>
          %dma_start3A_58 = tpu.memref_squeeze %dma_start3A_57 : memref<1x80xi32, #tpu.memory_space<vmem>> -> memref<80xi32, #tpu.memory_space<vmem>>
          %dma_start3A_59 = arith.constant 0 : i32
          %dma_start3A_60 = arith.constant 0 : i32
          %dma_start3A_61 = tpu.memref_slice %arg19[%dma_start3A_59, %dma_start3A_60] : memref<10240x128xbf16, #tpu.memory_space<vmem_shared>> -> memref<10240x128xbf16, #tpu.memory_space<vmem_shared>>
          tpu.enqueue_indirect_dma source(%arg17 : memref<80x128xbf16, #tpu.memory_space<vmem>>) target(%dma_start3A_61 : memref<10240x128xbf16, #tpu.memory_space<vmem_shared>>) offsets(%dma_start3A_58 : memref<80xi32, #tpu.memory_space<vmem>>) semaphore(%run_scoped3A : memref<!tpu.dma_semaphore, #tpu.memory_space<semaphore_mem>>) {add = true}
          %dma_wait3A_62 = arith.constant 0 : i32
          %dma_wait3A_63 = tpu.memref_slice %arg16[%mul3A_24, %dma_wait3A_62] : memref<250x80xi32, #tpu.memory_space<vmem>> -> memref<1x80xi32, #tpu.memory_space<vmem>>
          %dma_wait3A_64 = tpu.memref_squeeze %dma_wait3A_63 : memref<1x80xi32, #tpu.memory_space<vmem>> -> memref<80xi32, #tpu.memory_space<vmem>>
          %dma_wait3A_65 = arith.constant 0 : i32
          %dma_wait3A_66 = arith.constant 0 : i32
          %dma_wait3A_67 = tpu.memref_slice %arg19[%dma_wait3A_65, %dma_wait3A_66] : memref<10240x128xbf16, #tpu.memory_space<vmem_shared>> -> memref<10240x128xbf16, #tpu.memory_space<vmem_shared>>
          tpu.wait_indirect_dma semaphore(%run_scoped3A : memref<!tpu.dma_semaphore, #tpu.memory_space<semaphore_mem>>) src(%arg17 : memref<80x128xbf16, #tpu.memory_space<vmem>>) dst(%dma_wait3A_67 : memref<10240x128xbf16, #tpu.memory_space<vmem_shared>>)
          tpu.yield
        }) : () -> ()
        "tpu.region"() ({
          %run_scoped3A = tpu.sem_alloc : memref<!tpu.dma_semaphore, #tpu.memory_space<semaphore_mem>>
          %dma_start3A_56 = arith.constant 0 : i32
          %dma_start3A_57 = tpu.memref_slice %arg16[%mul3A_24, %dma_start3A_56] : memref<250x80xi32, #tpu.memory_space<vmem>> -> memref<1x80xi32, #tpu.memory_space<vmem>>
          %dma_start3A_58 = tpu.memref_squeeze %dma_start3A_57 : memref<1x80xi32, #tpu.memory_space<vmem>> -> memref<80xi32, #tpu.memory_space<vmem>>
          %dma_start3A_59 = arith.constant 0 : i32
          %dma_start3A_60 = arith.constant 0 : i32
          %dma_start3A_61 = tpu.memref_slice %arg23[%dma_start3A_59, %dma_start3A_60] : memref<10240x16xf32, #tpu.memory_space<vmem_shared>> -> memref<10240x16xf32, #tpu.memory_space<vmem_shared>>
          tpu.enqueue_indirect_dma source(%arg22 : memref<80x16xf32, #tpu.memory_space<vmem>>) target(%dma_start3A_61 : memref<10240x16xf32, #tpu.memory_space<vmem_shared>>) offsets(%dma_start3A_58 : memref<80xi32, #tpu.memory_space<vmem>>) semaphore(%run_scoped3A : memref<!tpu.dma_semaphore, #tpu.memory_space<semaphore_mem>>) {add = true}
          %dma_wait3A_62 = arith.constant 0 : i32
          %dma_wait3A_63 = tpu.memref_slice %arg16[%mul3A_24, %dma_wait3A_62] : memref<250x80xi32, #tpu.memory_space<vmem>> -> memref<1x80xi32, #tpu.memory_space<vmem>>
          %dma_wait3A_64 = tpu.memref_squeeze %dma_wait3A_63 : memref<1x80xi32, #tpu.memory_space<vmem>> -> memref<80xi32, #tpu.memory_space<vmem>>
          %dma_wait3A_65 = arith.constant 0 : i32
          %dma_wait3A_66 = arith.constant 0 : i32
          %dma_wait3A_67 = tpu.memref_slice %arg23[%dma_wait3A_65, %dma_wait3A_66] : memref<10240x16xf32, #tpu.memory_space<vmem_shared>> -> memref<10240x16xf32, #tpu.memory_space<vmem_shared>>
          tpu.wait_indirect_dma semaphore(%run_scoped3A : memref<!tpu.dma_semaphore, #tpu.memory_space<semaphore_mem>>) src(%arg22 : memref<80x16xf32, #tpu.memory_space<vmem>>) dst(%dma_wait3A_67 : memref<10240x16xf32, #tpu.memory_space<vmem_shared>>)
          tpu.yield
        }) : () -> ()
        %add3A_37 = arith.constant 2 : i32
        %add3A_38 = arith.addi %mul3A_24, %add3A_37 : i32
        %lt3A = arith.constant 250 : i32
        %lt3A_39 = arith.cmpi slt, %add3A_38, %lt3A : i32
        %convert_element_type3A_40 = arith.extui %lt3A_39 : i1 to i32
        %cond3A_41 = arith.constant 0 : i32
        %cond3A_42 = arith.cmpi ne, %convert_element_type3A_40, %cond3A_41 : i32
        scf.if %cond3A_42 {
          %add3A_56 = arith.constant 2 : i32
          %add3A_57 = arith.addi %mul3A_24, %add3A_56 : i32
          %dma_start3A_58 = arith.constant 0 : i32
          %dma_start3A_59 = tpu.memref_slice %arg15[%add3A_57, %dma_start3A_58] : memref<250x80xi32, #tpu.memory_space<vmem>> -> memref<1x80xi32, #tpu.memory_space<vmem>>
          %dma_start3A_60 = tpu.memref_squeeze %dma_start3A_59 : memref<1x80xi32, #tpu.memory_space<vmem>> -> memref<80xi32, #tpu.memory_space<vmem>>
          %dma_start3A_61 = arith.constant 0 : i32
          %dma_start3A_62 = arith.constant 0 : i32
          %dma_start3A_63 = tpu.memref_slice %arg3[%dma_start3A_61, %dma_start3A_62] : memref<10000x128xbf16, #tpu.memory_space<hbm>> -> memref<10000x128xbf16, #tpu.memory_space<hbm>>
          tpu.enqueue_indirect_dma source(%dma_start3A_63 : memref<10000x128xbf16, #tpu.memory_space<hbm>>) target(%arg17 : memref<80x128xbf16, #tpu.memory_space<vmem>>) offsets(%dma_start3A_60 : memref<80xi32, #tpu.memory_space<vmem>>) semaphore(%arg20 : memref<!tpu.dma_semaphore, #tpu.memory_space<semaphore_mem>>)
        } else {
        }
        %add3A_43 = arith.constant 1 : i32
        %add3A_44 = arith.addi %mul3A_24, %add3A_43 : i32
        %dma_wait3A_45 = arith.constant 0 : i32
        %dma_wait3A_46 = tpu.memref_slice %arg15[%add3A_44, %dma_wait3A_45] : memref<250x80xi32, #tpu.memory_space<vmem>> -> memref<1x80xi32, #tpu.memory_space<vmem>>
        %dma_wait3A_47 = tpu.memref_squeeze %dma_wait3A_46 : memref<1x80xi32, #tpu.memory_space<vmem>> -> memref<80xi32, #tpu.memory_space<vmem>>
        %dma_wait3A_48 = arith.constant 0 : i32
        %dma_wait3A_49 = arith.constant 0 : i32
        %dma_wait3A_50 = tpu.memref_slice %arg3[%dma_wait3A_48, %dma_wait3A_49] : memref<10000x128xbf16, #tpu.memory_space<hbm>> -> memref<10000x128xbf16, #tpu.memory_space<hbm>>
        tpu.wait_indirect_dma semaphore(%arg21 : memref<!tpu.dma_semaphore, #tpu.memory_space<semaphore_mem>>) src(%dma_wait3A_50 : memref<10000x128xbf16, #tpu.memory_space<hbm>>) dst(%arg18 : memref<80x128xbf16, #tpu.memory_space<vmem>>)
        %add3A_51 = arith.constant 1 : i32
        %add3A_52 = arith.addi %mul3A_24, %add3A_51 : i32
        "tpu.region"() ({
          %run_scoped3A = tpu.sem_alloc : memref<!tpu.dma_semaphore, #tpu.memory_space<semaphore_mem>>
          %dma_start3A_56 = arith.constant 0 : i32
          %dma_start3A_57 = tpu.memref_slice %arg16[%add3A_52, %dma_start3A_56] : memref<250x80xi32, #tpu.memory_space<vmem>> -> memref<1x80xi32, #tpu.memory_space<vmem>>
          %dma_start3A_58 = tpu.memref_squeeze %dma_start3A_57 : memref<1x80xi32, #tpu.memory_space<vmem>> -> memref<80xi32, #tpu.memory_space<vmem>>
          %dma_start3A_59 = arith.constant 0 : i32
          %dma_start3A_60 = arith.constant 0 : i32
          %dma_start3A_61 = tpu.memref_slice %arg19[%dma_start3A_59, %dma_start3A_60] : memref<10240x128xbf16, #tpu.memory_space<vmem_shared>> -> memref<10240x128xbf16, #tpu.memory_space<vmem_shared>>
          tpu.enqueue_indirect_dma source(%arg18 : memref<80x128xbf16, #tpu.memory_space<vmem>>) target(%dma_start3A_61 : memref<10240x128xbf16, #tpu.memory_space<vmem_shared>>) offsets(%dma_start3A_58 : memref<80xi32, #tpu.memory_space<vmem>>) semaphore(%run_scoped3A : memref<!tpu.dma_semaphore, #tpu.memory_space<semaphore_mem>>) {add = true}
          %dma_wait3A_62 = arith.constant 0 : i32
          %dma_wait3A_63 = tpu.memref_slice %arg16[%add3A_52, %dma_wait3A_62] : memref<250x80xi32, #tpu.memory_space<vmem>> -> memref<1x80xi32, #tpu.memory_space<vmem>>
          %dma_wait3A_64 = tpu.memref_squeeze %dma_wait3A_63 : memref<1x80xi32, #tpu.memory_space<vmem>> -> memref<80xi32, #tpu.memory_space<vmem>>
          %dma_wait3A_65 = arith.constant 0 : i32
          %dma_wait3A_66 = arith.constant 0 : i32
          %dma_wait3A_67 = tpu.memref_slice %arg19[%dma_wait3A_65, %dma_wait3A_66] : memref<10240x128xbf16, #tpu.memory_space<vmem_shared>> -> memref<10240x128xbf16, #tpu.memory_space<vmem_shared>>
          tpu.wait_indirect_dma semaphore(%run_scoped3A : memref<!tpu.dma_semaphore, #tpu.memory_space<semaphore_mem>>) src(%arg18 : memref<80x128xbf16, #tpu.memory_space<vmem>>) dst(%dma_wait3A_67 : memref<10240x128xbf16, #tpu.memory_space<vmem_shared>>)
          tpu.yield
        }) : () -> ()
        %add3A_53 = arith.constant 1 : i32
        %add3A_54 = arith.addi %mul3A_24, %add3A_53 : i32
        "tpu.region"() ({
          %run_scoped3A = tpu.sem_alloc : memref<!tpu.dma_semaphore, #tpu.memory_space<semaphore_mem>>
          %dma_start3A_56 = arith.constant 0 : i32
          %dma_start3A_57 = tpu.memref_slice %arg16[%add3A_54, %dma_start3A_56] : memref<250x80xi32, #tpu.memory_space<vmem>> -> memref<1x80xi32, #tpu.memory_space<vmem>>
          %dma_start3A_58 = tpu.memref_squeeze %dma_start3A_57 : memref<1x80xi32, #tpu.memory_space<vmem>> -> memref<80xi32, #tpu.memory_space<vmem>>
          %dma_start3A_59 = arith.constant 0 : i32
          %dma_start3A_60 = arith.constant 0 : i32
          %dma_start3A_61 = tpu.memref_slice %arg23[%dma_start3A_59, %dma_start3A_60] : memref<10240x16xf32, #tpu.memory_space<vmem_shared>> -> memref<10240x16xf32, #tpu.memory_space<vmem_shared>>
          tpu.enqueue_indirect_dma source(%arg22 : memref<80x16xf32, #tpu.memory_space<vmem>>) target(%dma_start3A_61 : memref<10240x16xf32, #tpu.memory_space<vmem_shared>>) offsets(%dma_start3A_58 : memref<80xi32, #tpu.memory_space<vmem>>) semaphore(%run_scoped3A : memref<!tpu.dma_semaphore, #tpu.memory_space<semaphore_mem>>) {add = true}
          %dma_wait3A_62 = arith.constant 0 : i32
          %dma_wait3A_63 = tpu.memref_slice %arg16[%add3A_54, %dma_wait3A_62] : memref<250x80xi32, #tpu.memory_space<vmem>> -> memref<1x80xi32, #tpu.memory_space<vmem>>
          %dma_wait3A_64 = tpu.memref_squeeze %dma_wait3A_63 : memref<1x80xi32, #tpu.memory_space<vmem>> -> memref<80xi32, #tpu.memory_space<vmem>>
          %dma_wait3A_65 = arith.constant 0 : i32
          %dma_wait3A_66 = arith.constant 0 : i32
          %dma_wait3A_67 = tpu.memref_slice %arg23[%dma_wait3A_65, %dma_wait3A_66] : memref<10240x16xf32, #tpu.memory_space<vmem_shared>> -> memref<10240x16xf32, #tpu.memory_space<vmem_shared>>
          tpu.wait_indirect_dma semaphore(%run_scoped3A : memref<!tpu.dma_semaphore, #tpu.memory_space<semaphore_mem>>) src(%arg22 : memref<80x16xf32, #tpu.memory_space<vmem>>) dst(%dma_wait3A_67 : memref<10240x16xf32, #tpu.memory_space<vmem_shared>>)
          tpu.yield
        }) : () -> ()
        %scan3A_55 = arith.constant 0 : i32
        scf.yield %scan3A_55 : i32
      }
      %scan3A_19 = arith.constant 125 : i32
      %barrier3A_20 = arith.constant 0 : index
      tpu.barrier barrier_id(%barrier3A_20)
      "tpu.region"() ({
        %run_scoped3A = tpu.sem_alloc : memref<!tpu.dma_semaphore, #tpu.memory_space<semaphore_mem>>
        %dma_start3A_21 = arith.constant 0 : i32
        %dma_start3A_22 = tpu.memref_slice %arg12[%mul3A_7, %dma_start3A_21] : memref<10240x128xbf16, #tpu.memory_space<hbm>> -> memref<640x128xbf16, #tpu.memory_space<hbm>>
        %dma_start3A_23 = arith.constant 0 : i32
        %dma_start3A_24 = tpu.memref_slice %arg19[%mul3A_7, %dma_start3A_23] : memref<10240x128xbf16, #tpu.memory_space<vmem_shared>> -> memref<640x128xbf16, #tpu.memory_space<vmem_shared>>
        tpu.enqueue_dma source(%dma_start3A_24 : memref<640x128xbf16, #tpu.memory_space<vmem_shared>>) target(%dma_start3A_22 : memref<640x128xbf16, #tpu.memory_space<hbm>>) target_semaphore(%run_scoped3A : memref<!tpu.dma_semaphore, #tpu.memory_space<semaphore_mem>>)
        %dma_wait3A = arith.constant 0 : i32
        %dma_wait3A_25 = tpu.memref_slice %arg12[%mul3A_7, %dma_wait3A] : memref<10240x128xbf16, #tpu.memory_space<hbm>> -> memref<640x128xbf16, #tpu.memory_space<hbm>>
        %dma_wait3A_26 = arith.constant 0 : i32
        %dma_wait3A_27 = tpu.memref_slice %arg19[%mul3A_7, %dma_wait3A_26] : memref<10240x128xbf16, #tpu.memory_space<vmem_shared>> -> memref<640x128xbf16, #tpu.memory_space<vmem_shared>>
        tpu.wait_dma2 semaphore(%run_scoped3A : memref<!tpu.dma_semaphore, #tpu.memory_space<semaphore_mem>>) src(%dma_wait3A_27 : memref<640x128xbf16, #tpu.memory_space<vmem_shared>>) dst(%dma_wait3A_25 : memref<640x128xbf16, #tpu.memory_space<hbm>>)
        tpu.yield
      }) : () -> ()
      "tpu.region"() ({
        %run_scoped3A = tpu.sem_alloc : memref<!tpu.dma_semaphore, #tpu.memory_space<semaphore_mem>>
        %dma_start3A_21 = arith.constant 0 : i32
        %dma_start3A_22 = tpu.memref_slice %arg14[%mul3A_7, %dma_start3A_21] : memref<10240x16xf32, #tpu.memory_space<hbm>> -> memref<640x16xf32, #tpu.memory_space<hbm>>
        %dma_start3A_23 = arith.constant 0 : i32
        %dma_start3A_24 = tpu.memref_slice %arg23[%mul3A_7, %dma_start3A_23] : memref<10240x16xf32, #tpu.memory_space<vmem_shared>> -> memref<640x16xf32, #tpu.memory_space<vmem_shared>>
        tpu.enqueue_dma source(%dma_start3A_24 : memref<640x16xf32, #tpu.memory_space<vmem_shared>>) target(%dma_start3A_22 : memref<640x16xf32, #tpu.memory_space<hbm>>) target_semaphore(%run_scoped3A : memref<!tpu.dma_semaphore, #tpu.memory_space<semaphore_mem>>)
        %dma_wait3A = arith.constant 0 : i32
        %dma_wait3A_25 = tpu.memref_slice %arg14[%mul3A_7, %dma_wait3A] : memref<10240x16xf32, #tpu.memory_space<hbm>> -> memref<640x16xf32, #tpu.memory_space<hbm>>
        %dma_wait3A_26 = arith.constant 0 : i32
        %dma_wait3A_27 = tpu.memref_slice %arg23[%mul3A_7, %dma_wait3A_26] : memref<10240x16xf32, #tpu.memory_space<vmem_shared>> -> memref<640x16xf32, #tpu.memory_space<vmem_shared>>
        tpu.wait_dma2 semaphore(%run_scoped3A : memref<!tpu.dma_semaphore, #tpu.memory_space<semaphore_mem>>) src(%dma_wait3A_27 : memref<640x16xf32, #tpu.memory_space<vmem_shared>>) dst(%dma_wait3A_25 : memref<640x16xf32, #tpu.memory_space<hbm>>)
        tpu.yield
      }) : () -> ()
    } else {
    }
    return
  }
}

#map = affine_map<(d0, d1) -> (0, 0)>
#map1 = affine_map<(d0, d1) -> (0, 0, 0)>
module attributes {stable_mosaic.version = 14 : i64} {
  func.func @body(%arg0: i32, %arg1: i32, %arg2: memref<10000x128xbf16, #tpu.memory_space<hbm>>, %arg3: memref<10000x128xbf16, #tpu.memory_space<hbm>>, %arg4: memref<16x250x80xi32, #tpu.memory_space<hbm>>, %arg5: memref<16x250x80xi32, #tpu.memory_space<hbm>>, %arg6: memref<16x250x80xi32, #tpu.memory_space<hbm>>, %arg7: memref<16x250x80xi32, #tpu.memory_space<hbm>>, %arg8: memref<640x128xbf16, #tpu.memory_space<hbm>>, %arg9: memref<640x16xf32, #tpu.memory_space<hbm>>, %arg10: memref<80x16xf32, #tpu.memory_space<hbm>>, %arg11: memref<10240x128xbf16, #tpu.memory_space<hbm>>, %arg12: memref<10240x128xbf16, #tpu.memory_space<hbm>>, %arg13: memref<250x80xi32, #tpu.memory_space<vmem>>, %arg14: memref<250x80xi32, #tpu.memory_space<vmem>>, %arg15: memref<80x128xbf16, #tpu.memory_space<vmem>>, %arg16: memref<80x128xbf16, #tpu.memory_space<vmem>>, %arg17: memref<10240x128xbf16, #tpu.memory_space<vmem_shared>>, %arg18: memref<!tpu.dma_semaphore, #tpu.memory_space<semaphore_mem>>, %arg19: memref<!tpu.dma_semaphore, #tpu.memory_space<semaphore_mem>>) attributes {dimension_semantics = [#tpu.dimension_semantics<core_parallel>, #tpu.dimension_semantics<subcore_parallel>], iteration_bounds = array<i64: 2, 16>, scalar_prefetch = 0 : i64, scratch_operands = 7 : i64, tpu.core_type = #tpu.core_type<sc_vector_subcore>, window_params = [{transform_indices = #map}, {transform_indices = #map}, {transform_indices = #map1}, {transform_indices = #map1}, {transform_indices = #map1}, {transform_indices = #map1}, {transform_indices = #map}, {transform_indices = #map}, {transform_indices = #map}, {transform_indices = #map}, {transform_indices = #map}]} {
    %eq3A = arith.constant 0 : i32
    %eq3A_0 = arith.cmpi eq, %arg0, %eq3A : i32
    %convert_element_type3A = arith.extui %eq3A_0 : i1 to i32
    %cond3A = arith.constant 0 : i32
    %cond3A_1 = arith.cmpi ne, %convert_element_type3A, %cond3A : i32
    scf.if %cond3A_1 {
      %mul3A = arith.constant 640 : i32
      %mul3A_7 = arith.muli %arg1, %mul3A : i32
      "tpu.region"() ({
        %run_scoped3A = tpu.sem_alloc : memref<!tpu.dma_semaphore, #tpu.memory_space<semaphore_mem>>
        %dma_start3A_21 = arith.constant 0 : i32
        %dma_start3A_22 = arith.constant 0 : i32
        %dma_start3A_23 = tpu.memref_slice %arg4[%arg1, %dma_start3A_21, %dma_start3A_22] : memref<16x250x80xi32, #tpu.memory_space<hbm>> -> memref<1x250x80xi32, #tpu.memory_space<hbm>>
        %dma_start3A_24 = tpu.memref_squeeze %dma_start3A_23 : memref<1x250x80xi32, #tpu.memory_space<hbm>> -> memref<250x80xi32, #tpu.memory_space<hbm>>
        %dma_start3A_25 = arith.constant 0 : i32
        %dma_start3A_26 = arith.constant 0 : i32
        %dma_start3A_27 = tpu.memref_slice %arg4[%arg1, %dma_start3A_25, %dma_start3A_26] : memref<16x250x80xi32, #tpu.memory_space<hbm>> -> memref<1x250x80xi32, #tpu.memory_space<hbm>>
        %dma_start3A_28 = tpu.memref_squeeze %dma_start3A_27 : memref<1x250x80xi32, #tpu.memory_space<hbm>> -> memref<250x80xi32, #tpu.memory_space<hbm>>
        tpu.enqueue_dma source(%dma_start3A_28 : memref<250x80xi32, #tpu.memory_space<hbm>>) target(%arg13 : memref<250x80xi32, #tpu.memory_space<vmem>>) target_semaphore(%run_scoped3A : memref<!tpu.dma_semaphore, #tpu.memory_space<semaphore_mem>>)
        %dma_wait3A = arith.constant 0 : i32
        %dma_wait3A_29 = arith.constant 0 : i32
        %dma_wait3A_30 = tpu.memref_slice %arg4[%arg1, %dma_wait3A, %dma_wait3A_29] : memref<16x250x80xi32, #tpu.memory_space<hbm>> -> memref<1x250x80xi32, #tpu.memory_space<hbm>>
        %dma_wait3A_31 = tpu.memref_squeeze %dma_wait3A_30 : memref<1x250x80xi32, #tpu.memory_space<hbm>> -> memref<250x80xi32, #tpu.memory_space<hbm>>
        %dma_wait3A_32 = arith.constant 0 : i32
        %dma_wait3A_33 = arith.constant 0 : i32
        %dma_wait3A_34 = tpu.memref_slice %arg4[%arg1, %dma_wait3A_32, %dma_wait3A_33] : memref<16x250x80xi32, #tpu.memory_space<hbm>> -> memref<1x250x80xi32, #tpu.memory_space<hbm>>
        %dma_wait3A_35 = tpu.memref_squeeze %dma_wait3A_34 : memref<1x250x80xi32, #tpu.memory_space<hbm>> -> memref<250x80xi32, #tpu.memory_space<hbm>>
        tpu.wait_dma2 semaphore(%run_scoped3A : memref<!tpu.dma_semaphore, #tpu.memory_space<semaphore_mem>>) src(%dma_wait3A_35 : memref<250x80xi32, #tpu.memory_space<hbm>>) dst(%arg13 : memref<250x80xi32, #tpu.memory_space<vmem>>)
        tpu.yield
      }) : () -> ()
      "tpu.region"() ({
        %run_scoped3A = tpu.sem_alloc : memref<!tpu.dma_semaphore, #tpu.memory_space<semaphore_mem>>
        %dma_start3A_21 = arith.constant 0 : i32
        %dma_start3A_22 = arith.constant 0 : i32
        %dma_start3A_23 = tpu.memref_slice %arg5[%arg1, %dma_start3A_21, %dma_start3A_22] : memref<16x250x80xi32, #tpu.memory_space<hbm>> -> memref<1x250x80xi32, #tpu.memory_space<hbm>>
        %dma_start3A_24 = tpu.memref_squeeze %dma_start3A_23 : memref<1x250x80xi32, #tpu.memory_space<hbm>> -> memref<250x80xi32, #tpu.memory_space<hbm>>
        %dma_start3A_25 = arith.constant 0 : i32
        %dma_start3A_26 = arith.constant 0 : i32
        %dma_start3A_27 = tpu.memref_slice %arg5[%arg1, %dma_start3A_25, %dma_start3A_26] : memref<16x250x80xi32, #tpu.memory_space<hbm>> -> memref<1x250x80xi32, #tpu.memory_space<hbm>>
        %dma_start3A_28 = tpu.memref_squeeze %dma_start3A_27 : memref<1x250x80xi32, #tpu.memory_space<hbm>> -> memref<250x80xi32, #tpu.memory_space<hbm>>
        tpu.enqueue_dma source(%dma_start3A_28 : memref<250x80xi32, #tpu.memory_space<hbm>>) target(%arg14 : memref<250x80xi32, #tpu.memory_space<vmem>>) target_semaphore(%run_scoped3A : memref<!tpu.dma_semaphore, #tpu.memory_space<semaphore_mem>>)
        %dma_wait3A = arith.constant 0 : i32
        %dma_wait3A_29 = arith.constant 0 : i32
        %dma_wait3A_30 = tpu.memref_slice %arg5[%arg1, %dma_wait3A, %dma_wait3A_29] : memref<16x250x80xi32, #tpu.memory_space<hbm>> -> memref<1x250x80xi32, #tpu.memory_space<hbm>>
        %dma_wait3A_31 = tpu.memref_squeeze %dma_wait3A_30 : memref<1x250x80xi32, #tpu.memory_space<hbm>> -> memref<250x80xi32, #tpu.memory_space<hbm>>
        %dma_wait3A_32 = arith.constant 0 : i32
        %dma_wait3A_33 = arith.constant 0 : i32
        %dma_wait3A_34 = tpu.memref_slice %arg5[%arg1, %dma_wait3A_32, %dma_wait3A_33] : memref<16x250x80xi32, #tpu.memory_space<hbm>> -> memref<1x250x80xi32, #tpu.memory_space<hbm>>
        %dma_wait3A_35 = tpu.memref_squeeze %dma_wait3A_34 : memref<1x250x80xi32, #tpu.memory_space<hbm>> -> memref<250x80xi32, #tpu.memory_space<hbm>>
        tpu.wait_dma2 semaphore(%run_scoped3A : memref<!tpu.dma_semaphore, #tpu.memory_space<semaphore_mem>>) src(%dma_wait3A_35 : memref<250x80xi32, #tpu.memory_space<hbm>>) dst(%arg14 : memref<250x80xi32, #tpu.memory_space<vmem>>)
        tpu.yield
      }) : () -> ()
      "tpu.region"() ({
        %run_scoped3A = tpu.sem_alloc : memref<!tpu.dma_semaphore, #tpu.memory_space<semaphore_mem>>
        %dma_start3A_21 = arith.constant 0 : i32
        %dma_start3A_22 = tpu.memref_slice %arg17[%mul3A_7, %dma_start3A_21] : memref<10240x128xbf16, #tpu.memory_space<vmem_shared>> -> memref<640x128xbf16, #tpu.memory_space<vmem_shared>>
        tpu.enqueue_dma source(%arg8 : memref<640x128xbf16, #tpu.memory_space<hbm>>) target(%dma_start3A_22 : memref<640x128xbf16, #tpu.memory_space<vmem_shared>>) target_semaphore(%run_scoped3A : memref<!tpu.dma_semaphore, #tpu.memory_space<semaphore_mem>>)
        %dma_wait3A = arith.constant 0 : i32
        %dma_wait3A_23 = tpu.memref_slice %arg17[%mul3A_7, %dma_wait3A] : memref<10240x128xbf16, #tpu.memory_space<vmem_shared>> -> memref<640x128xbf16, #tpu.memory_space<vmem_shared>>
        tpu.wait_dma2 semaphore(%run_scoped3A : memref<!tpu.dma_semaphore, #tpu.memory_space<semaphore_mem>>) src(%arg8 : memref<640x128xbf16, #tpu.memory_space<hbm>>) dst(%dma_wait3A_23 : memref<640x128xbf16, #tpu.memory_space<vmem_shared>>)
        tpu.yield
      }) : () -> ()
      %barrier3A = arith.constant 0 : index
      tpu.barrier barrier_id(%barrier3A)
      %dma_start3A = arith.constant 0 : i32
      %dma_start3A_8 = arith.constant 0 : i32
      %dma_start3A_9 = tpu.memref_slice %arg13[%dma_start3A, %dma_start3A_8] : memref<250x80xi32, #tpu.memory_space<vmem>> -> memref<1x80xi32, #tpu.memory_space<vmem>>
      %dma_start3A_10 = tpu.memref_squeeze %dma_start3A_9 : memref<1x80xi32, #tpu.memory_space<vmem>> -> memref<80xi32, #tpu.memory_space<vmem>>
      %dma_start3A_11 = arith.constant 0 : i32
      %dma_start3A_12 = arith.constant 0 : i32
      %dma_start3A_13 = tpu.memref_slice %arg2[%dma_start3A_11, %dma_start3A_12] : memref<10000x128xbf16, #tpu.memory_space<hbm>> -> memref<10000x128xbf16, #tpu.memory_space<hbm>>
      tpu.enqueue_indirect_dma source(%dma_start3A_13 : memref<10000x128xbf16, #tpu.memory_space<hbm>>) target(%arg15 : memref<80x128xbf16, #tpu.memory_space<vmem>>) offsets(%dma_start3A_10 : memref<80xi32, #tpu.memory_space<vmem>>) semaphore(%arg18 : memref<!tpu.dma_semaphore, #tpu.memory_space<semaphore_mem>>)
      %scan3A = arith.constant 0 : i32
      %scan3A_14 = arith.constant 0 : i32
      %scan3A_15 = arith.constant 125 : i32
      %scan3A_16 = arith.addi %scan3A_14, %scan3A_15 : i32
      %scan3A_17 = arith.constant 1 : i32
      %scan3A_18 = scf.for %scan3A_21 = %scan3A_14 to %scan3A_16 step %scan3A_17 iter_args(%scan3A_22 = %scan3A) -> (i32)  : i32 {
        %mul3A_23 = arith.constant 2 : i32
        %mul3A_24 = arith.muli %scan3A_21, %mul3A_23 : i32
        %add3A = arith.constant 1 : i32
        %add3A_25 = arith.addi %mul3A_24, %add3A : i32
        %dma_start3A_26 = arith.constant 0 : i32
        %dma_start3A_27 = tpu.memref_slice %arg13[%add3A_25, %dma_start3A_26] : memref<250x80xi32, #tpu.memory_space<vmem>> -> memref<1x80xi32, #tpu.memory_space<vmem>>
        %dma_start3A_28 = tpu.memref_squeeze %dma_start3A_27 : memref<1x80xi32, #tpu.memory_space<vmem>> -> memref<80xi32, #tpu.memory_space<vmem>>
        %dma_start3A_29 = arith.constant 0 : i32
        %dma_start3A_30 = arith.constant 0 : i32
        %dma_start3A_31 = tpu.memref_slice %arg2[%dma_start3A_29, %dma_start3A_30] : memref<10000x128xbf16, #tpu.memory_space<hbm>> -> memref<10000x128xbf16, #tpu.memory_space<hbm>>
        tpu.enqueue_indirect_dma source(%dma_start3A_31 : memref<10000x128xbf16, #tpu.memory_space<hbm>>) target(%arg16 : memref<80x128xbf16, #tpu.memory_space<vmem>>) offsets(%dma_start3A_28 : memref<80xi32, #tpu.memory_space<vmem>>) semaphore(%arg19 : memref<!tpu.dma_semaphore, #tpu.memory_space<semaphore_mem>>)
        %dma_wait3A = arith.constant 0 : i32
        %dma_wait3A_32 = tpu.memref_slice %arg13[%mul3A_24, %dma_wait3A] : memref<250x80xi32, #tpu.memory_space<vmem>> -> memref<1x80xi32, #tpu.memory_space<vmem>>
        %dma_wait3A_33 = tpu.memref_squeeze %dma_wait3A_32 : memref<1x80xi32, #tpu.memory_space<vmem>> -> memref<80xi32, #tpu.memory_space<vmem>>
        %dma_wait3A_34 = arith.constant 0 : i32
        %dma_wait3A_35 = arith.constant 0 : i32
        %dma_wait3A_36 = tpu.memref_slice %arg2[%dma_wait3A_34, %dma_wait3A_35] : memref<10000x128xbf16, #tpu.memory_space<hbm>> -> memref<10000x128xbf16, #tpu.memory_space<hbm>>
        tpu.wait_indirect_dma semaphore(%arg18 : memref<!tpu.dma_semaphore, #tpu.memory_space<semaphore_mem>>) src(%dma_wait3A_36 : memref<10000x128xbf16, #tpu.memory_space<hbm>>) dst(%arg15 : memref<80x128xbf16, #tpu.memory_space<vmem>>)
        "tpu.region"() ({
          %run_scoped3A = tpu.sem_alloc : memref<!tpu.dma_semaphore, #tpu.memory_space<semaphore_mem>>
          %dma_start3A_54 = arith.constant 0 : i32
          %dma_start3A_55 = tpu.memref_slice %arg14[%mul3A_24, %dma_start3A_54] : memref<250x80xi32, #tpu.memory_space<vmem>> -> memref<1x80xi32, #tpu.memory_space<vmem>>
          %dma_start3A_56 = tpu.memref_squeeze %dma_start3A_55 : memref<1x80xi32, #tpu.memory_space<vmem>> -> memref<80xi32, #tpu.memory_space<vmem>>
          %dma_start3A_57 = arith.constant 0 : i32
          %dma_start3A_58 = arith.constant 0 : i32
          %dma_start3A_59 = tpu.memref_slice %arg17[%dma_start3A_57, %dma_start3A_58] : memref<10240x128xbf16, #tpu.memory_space<vmem_shared>> -> memref<10240x128xbf16, #tpu.memory_space<vmem_shared>>
          tpu.enqueue_indirect_dma source(%arg15 : memref<80x128xbf16, #tpu.memory_space<vmem>>) target(%dma_start3A_59 : memref<10240x128xbf16, #tpu.memory_space<vmem_shared>>) offsets(%dma_start3A_56 : memref<80xi32, #tpu.memory_space<vmem>>) semaphore(%run_scoped3A : memref<!tpu.dma_semaphore, #tpu.memory_space<semaphore_mem>>) {add = true}
          %dma_wait3A_60 = arith.constant 0 : i32
          %dma_wait3A_61 = tpu.memref_slice %arg14[%mul3A_24, %dma_wait3A_60] : memref<250x80xi32, #tpu.memory_space<vmem>> -> memref<1x80xi32, #tpu.memory_space<vmem>>
          %dma_wait3A_62 = tpu.memref_squeeze %dma_wait3A_61 : memref<1x80xi32, #tpu.memory_space<vmem>> -> memref<80xi32, #tpu.memory_space<vmem>>
          %dma_wait3A_63 = arith.constant 0 : i32
          %dma_wait3A_64 = arith.constant 0 : i32
          %dma_wait3A_65 = tpu.memref_slice %arg17[%dma_wait3A_63, %dma_wait3A_64] : memref<10240x128xbf16, #tpu.memory_space<vmem_shared>> -> memref<10240x128xbf16, #tpu.memory_space<vmem_shared>>
          tpu.wait_indirect_dma semaphore(%run_scoped3A : memref<!tpu.dma_semaphore, #tpu.memory_space<semaphore_mem>>) src(%arg15 : memref<80x128xbf16, #tpu.memory_space<vmem>>) dst(%dma_wait3A_65 : memref<10240x128xbf16, #tpu.memory_space<vmem_shared>>)
          tpu.yield
        }) : () -> ()
        %add3A_37 = arith.constant 2 : i32
        %add3A_38 = arith.addi %mul3A_24, %add3A_37 : i32
        %lt3A = arith.constant 250 : i32
        %lt3A_39 = arith.cmpi slt, %add3A_38, %lt3A : i32
        %convert_element_type3A_40 = arith.extui %lt3A_39 : i1 to i32
        %cond3A_41 = arith.constant 0 : i32
        %cond3A_42 = arith.cmpi ne, %convert_element_type3A_40, %cond3A_41 : i32
        scf.if %cond3A_42 {
          %add3A_54 = arith.constant 2 : i32
          %add3A_55 = arith.addi %mul3A_24, %add3A_54 : i32
          %dma_start3A_56 = arith.constant 0 : i32
          %dma_start3A_57 = tpu.memref_slice %arg13[%add3A_55, %dma_start3A_56] : memref<250x80xi32, #tpu.memory_space<vmem>> -> memref<1x80xi32, #tpu.memory_space<vmem>>
          %dma_start3A_58 = tpu.memref_squeeze %dma_start3A_57 : memref<1x80xi32, #tpu.memory_space<vmem>> -> memref<80xi32, #tpu.memory_space<vmem>>
          %dma_start3A_59 = arith.constant 0 : i32
          %dma_start3A_60 = arith.constant 0 : i32
          %dma_start3A_61 = tpu.memref_slice %arg2[%dma_start3A_59, %dma_start3A_60] : memref<10000x128xbf16, #tpu.memory_space<hbm>> -> memref<10000x128xbf16, #tpu.memory_space<hbm>>
          tpu.enqueue_indirect_dma source(%dma_start3A_61 : memref<10000x128xbf16, #tpu.memory_space<hbm>>) target(%arg15 : memref<80x128xbf16, #tpu.memory_space<vmem>>) offsets(%dma_start3A_58 : memref<80xi32, #tpu.memory_space<vmem>>) semaphore(%arg18 : memref<!tpu.dma_semaphore, #tpu.memory_space<semaphore_mem>>)
        } else {
        }
        %add3A_43 = arith.constant 1 : i32
        %add3A_44 = arith.addi %mul3A_24, %add3A_43 : i32
        %dma_wait3A_45 = arith.constant 0 : i32
        %dma_wait3A_46 = tpu.memref_slice %arg13[%add3A_44, %dma_wait3A_45] : memref<250x80xi32, #tpu.memory_space<vmem>> -> memref<1x80xi32, #tpu.memory_space<vmem>>
        %dma_wait3A_47 = tpu.memref_squeeze %dma_wait3A_46 : memref<1x80xi32, #tpu.memory_space<vmem>> -> memref<80xi32, #tpu.memory_space<vmem>>
        %dma_wait3A_48 = arith.constant 0 : i32
        %dma_wait3A_49 = arith.constant 0 : i32
        %dma_wait3A_50 = tpu.memref_slice %arg2[%dma_wait3A_48, %dma_wait3A_49] : memref<10000x128xbf16, #tpu.memory_space<hbm>> -> memref<10000x128xbf16, #tpu.memory_space<hbm>>
        tpu.wait_indirect_dma semaphore(%arg19 : memref<!tpu.dma_semaphore, #tpu.memory_space<semaphore_mem>>) src(%dma_wait3A_50 : memref<10000x128xbf16, #tpu.memory_space<hbm>>) dst(%arg16 : memref<80x128xbf16, #tpu.memory_space<vmem>>)
        %add3A_51 = arith.constant 1 : i32
        %add3A_52 = arith.addi %mul3A_24, %add3A_51 : i32
        "tpu.region"() ({
          %run_scoped3A = tpu.sem_alloc : memref<!tpu.dma_semaphore, #tpu.memory_space<semaphore_mem>>
          %dma_start3A_54 = arith.constant 0 : i32
          %dma_start3A_55 = tpu.memref_slice %arg14[%add3A_52, %dma_start3A_54] : memref<250x80xi32, #tpu.memory_space<vmem>> -> memref<1x80xi32, #tpu.memory_space<vmem>>
          %dma_start3A_56 = tpu.memref_squeeze %dma_start3A_55 : memref<1x80xi32, #tpu.memory_space<vmem>> -> memref<80xi32, #tpu.memory_space<vmem>>
          %dma_start3A_57 = arith.constant 0 : i32
          %dma_start3A_58 = arith.constant 0 : i32
          %dma_start3A_59 = tpu.memref_slice %arg17[%dma_start3A_57, %dma_start3A_58] : memref<10240x128xbf16, #tpu.memory_space<vmem_shared>> -> memref<10240x128xbf16, #tpu.memory_space<vmem_shared>>
          tpu.enqueue_indirect_dma source(%arg16 : memref<80x128xbf16, #tpu.memory_space<vmem>>) target(%dma_start3A_59 : memref<10240x128xbf16, #tpu.memory_space<vmem_shared>>) offsets(%dma_start3A_56 : memref<80xi32, #tpu.memory_space<vmem>>) semaphore(%run_scoped3A : memref<!tpu.dma_semaphore, #tpu.memory_space<semaphore_mem>>) {add = true}
          %dma_wait3A_60 = arith.constant 0 : i32
          %dma_wait3A_61 = tpu.memref_slice %arg14[%add3A_52, %dma_wait3A_60] : memref<250x80xi32, #tpu.memory_space<vmem>> -> memref<1x80xi32, #tpu.memory_space<vmem>>
          %dma_wait3A_62 = tpu.memref_squeeze %dma_wait3A_61 : memref<1x80xi32, #tpu.memory_space<vmem>> -> memref<80xi32, #tpu.memory_space<vmem>>
          %dma_wait3A_63 = arith.constant 0 : i32
          %dma_wait3A_64 = arith.constant 0 : i32
          %dma_wait3A_65 = tpu.memref_slice %arg17[%dma_wait3A_63, %dma_wait3A_64] : memref<10240x128xbf16, #tpu.memory_space<vmem_shared>> -> memref<10240x128xbf16, #tpu.memory_space<vmem_shared>>
          tpu.wait_indirect_dma semaphore(%run_scoped3A : memref<!tpu.dma_semaphore, #tpu.memory_space<semaphore_mem>>) src(%arg16 : memref<80x128xbf16, #tpu.memory_space<vmem>>) dst(%dma_wait3A_65 : memref<10240x128xbf16, #tpu.memory_space<vmem_shared>>)
          tpu.yield
        }) : () -> ()
        %scan3A_53 = arith.constant 0 : i32
        scf.yield %scan3A_53 : i32
      }
      %scan3A_19 = arith.constant 125 : i32
      %barrier3A_20 = arith.constant 0 : index
      tpu.barrier barrier_id(%barrier3A_20)
      "tpu.region"() ({
        %run_scoped3A = tpu.sem_alloc : memref<!tpu.dma_semaphore, #tpu.memory_space<semaphore_mem>>
        %dma_start3A_21 = arith.constant 0 : i32
        %dma_start3A_22 = tpu.memref_slice %arg11[%mul3A_7, %dma_start3A_21] : memref<10240x128xbf16, #tpu.memory_space<hbm>> -> memref<640x128xbf16, #tpu.memory_space<hbm>>
        %dma_start3A_23 = arith.constant 0 : i32
        %dma_start3A_24 = tpu.memref_slice %arg17[%mul3A_7, %dma_start3A_23] : memref<10240x128xbf16, #tpu.memory_space<vmem_shared>> -> memref<640x128xbf16, #tpu.memory_space<vmem_shared>>
        tpu.enqueue_dma source(%dma_start3A_24 : memref<640x128xbf16, #tpu.memory_space<vmem_shared>>) target(%dma_start3A_22 : memref<640x128xbf16, #tpu.memory_space<hbm>>) target_semaphore(%run_scoped3A : memref<!tpu.dma_semaphore, #tpu.memory_space<semaphore_mem>>)
        %dma_wait3A = arith.constant 0 : i32
        %dma_wait3A_25 = tpu.memref_slice %arg11[%mul3A_7, %dma_wait3A] : memref<10240x128xbf16, #tpu.memory_space<hbm>> -> memref<640x128xbf16, #tpu.memory_space<hbm>>
        %dma_wait3A_26 = arith.constant 0 : i32
        %dma_wait3A_27 = tpu.memref_slice %arg17[%mul3A_7, %dma_wait3A_26] : memref<10240x128xbf16, #tpu.memory_space<vmem_shared>> -> memref<640x128xbf16, #tpu.memory_space<vmem_shared>>
        tpu.wait_dma2 semaphore(%run_scoped3A : memref<!tpu.dma_semaphore, #tpu.memory_space<semaphore_mem>>) src(%dma_wait3A_27 : memref<640x128xbf16, #tpu.memory_space<vmem_shared>>) dst(%dma_wait3A_25 : memref<640x128xbf16, #tpu.memory_space<hbm>>)
        tpu.yield
      }) : () -> ()
    } else {
    }
    %eq3A_2 = arith.constant 1 : i32
    %eq3A_3 = arith.cmpi eq, %arg0, %eq3A_2 : i32
    %convert_element_type3A_4 = arith.extui %eq3A_3 : i1 to i32
    %cond3A_5 = arith.constant 0 : i32
    %cond3A_6 = arith.cmpi ne, %convert_element_type3A_4, %cond3A_5 : i32
    scf.if %cond3A_6 {
      %mul3A = arith.constant 640 : i32
      %mul3A_7 = arith.muli %arg1, %mul3A : i32
      "tpu.region"() ({
        %run_scoped3A = tpu.sem_alloc : memref<!tpu.dma_semaphore, #tpu.memory_space<semaphore_mem>>
        %dma_start3A_21 = arith.constant 0 : i32
        %dma_start3A_22 = arith.constant 0 : i32
        %dma_start3A_23 = tpu.memref_slice %arg6[%arg1, %dma_start3A_21, %dma_start3A_22] : memref<16x250x80xi32, #tpu.memory_space<hbm>> -> memref<1x250x80xi32, #tpu.memory_space<hbm>>
        %dma_start3A_24 = tpu.memref_squeeze %dma_start3A_23 : memref<1x250x80xi32, #tpu.memory_space<hbm>> -> memref<250x80xi32, #tpu.memory_space<hbm>>
        %dma_start3A_25 = arith.constant 0 : i32
        %dma_start3A_26 = arith.constant 0 : i32
        %dma_start3A_27 = tpu.memref_slice %arg6[%arg1, %dma_start3A_25, %dma_start3A_26] : memref<16x250x80xi32, #tpu.memory_space<hbm>> -> memref<1x250x80xi32, #tpu.memory_space<hbm>>
        %dma_start3A_28 = tpu.memref_squeeze %dma_start3A_27 : memref<1x250x80xi32, #tpu.memory_space<hbm>> -> memref<250x80xi32, #tpu.memory_space<hbm>>
        tpu.enqueue_dma source(%dma_start3A_28 : memref<250x80xi32, #tpu.memory_space<hbm>>) target(%arg13 : memref<250x80xi32, #tpu.memory_space<vmem>>) target_semaphore(%run_scoped3A : memref<!tpu.dma_semaphore, #tpu.memory_space<semaphore_mem>>)
        %dma_wait3A = arith.constant 0 : i32
        %dma_wait3A_29 = arith.constant 0 : i32
        %dma_wait3A_30 = tpu.memref_slice %arg6[%arg1, %dma_wait3A, %dma_wait3A_29] : memref<16x250x80xi32, #tpu.memory_space<hbm>> -> memref<1x250x80xi32, #tpu.memory_space<hbm>>
        %dma_wait3A_31 = tpu.memref_squeeze %dma_wait3A_30 : memref<1x250x80xi32, #tpu.memory_space<hbm>> -> memref<250x80xi32, #tpu.memory_space<hbm>>
        %dma_wait3A_32 = arith.constant 0 : i32
        %dma_wait3A_33 = arith.constant 0 : i32
        %dma_wait3A_34 = tpu.memref_slice %arg6[%arg1, %dma_wait3A_32, %dma_wait3A_33] : memref<16x250x80xi32, #tpu.memory_space<hbm>> -> memref<1x250x80xi32, #tpu.memory_space<hbm>>
        %dma_wait3A_35 = tpu.memref_squeeze %dma_wait3A_34 : memref<1x250x80xi32, #tpu.memory_space<hbm>> -> memref<250x80xi32, #tpu.memory_space<hbm>>
        tpu.wait_dma2 semaphore(%run_scoped3A : memref<!tpu.dma_semaphore, #tpu.memory_space<semaphore_mem>>) src(%dma_wait3A_35 : memref<250x80xi32, #tpu.memory_space<hbm>>) dst(%arg13 : memref<250x80xi32, #tpu.memory_space<vmem>>)
        tpu.yield
      }) : () -> ()
      "tpu.region"() ({
        %run_scoped3A = tpu.sem_alloc : memref<!tpu.dma_semaphore, #tpu.memory_space<semaphore_mem>>
        %dma_start3A_21 = arith.constant 0 : i32
        %dma_start3A_22 = arith.constant 0 : i32
        %dma_start3A_23 = tpu.memref_slice %arg7[%arg1, %dma_start3A_21, %dma_start3A_22] : memref<16x250x80xi32, #tpu.memory_space<hbm>> -> memref<1x250x80xi32, #tpu.memory_space<hbm>>
        %dma_start3A_24 = tpu.memref_squeeze %dma_start3A_23 : memref<1x250x80xi32, #tpu.memory_space<hbm>> -> memref<250x80xi32, #tpu.memory_space<hbm>>
        %dma_start3A_25 = arith.constant 0 : i32
        %dma_start3A_26 = arith.constant 0 : i32
        %dma_start3A_27 = tpu.memref_slice %arg7[%arg1, %dma_start3A_25, %dma_start3A_26] : memref<16x250x80xi32, #tpu.memory_space<hbm>> -> memref<1x250x80xi32, #tpu.memory_space<hbm>>
        %dma_start3A_28 = tpu.memref_squeeze %dma_start3A_27 : memref<1x250x80xi32, #tpu.memory_space<hbm>> -> memref<250x80xi32, #tpu.memory_space<hbm>>
        tpu.enqueue_dma source(%dma_start3A_28 : memref<250x80xi32, #tpu.memory_space<hbm>>) target(%arg14 : memref<250x80xi32, #tpu.memory_space<vmem>>) target_semaphore(%run_scoped3A : memref<!tpu.dma_semaphore, #tpu.memory_space<semaphore_mem>>)
        %dma_wait3A = arith.constant 0 : i32
        %dma_wait3A_29 = arith.constant 0 : i32
        %dma_wait3A_30 = tpu.memref_slice %arg7[%arg1, %dma_wait3A, %dma_wait3A_29] : memref<16x250x80xi32, #tpu.memory_space<hbm>> -> memref<1x250x80xi32, #tpu.memory_space<hbm>>
        %dma_wait3A_31 = tpu.memref_squeeze %dma_wait3A_30 : memref<1x250x80xi32, #tpu.memory_space<hbm>> -> memref<250x80xi32, #tpu.memory_space<hbm>>
        %dma_wait3A_32 = arith.constant 0 : i32
        %dma_wait3A_33 = arith.constant 0 : i32
        %dma_wait3A_34 = tpu.memref_slice %arg7[%arg1, %dma_wait3A_32, %dma_wait3A_33] : memref<16x250x80xi32, #tpu.memory_space<hbm>> -> memref<1x250x80xi32, #tpu.memory_space<hbm>>
        %dma_wait3A_35 = tpu.memref_squeeze %dma_wait3A_34 : memref<1x250x80xi32, #tpu.memory_space<hbm>> -> memref<250x80xi32, #tpu.memory_space<hbm>>
        tpu.wait_dma2 semaphore(%run_scoped3A : memref<!tpu.dma_semaphore, #tpu.memory_space<semaphore_mem>>) src(%dma_wait3A_35 : memref<250x80xi32, #tpu.memory_space<hbm>>) dst(%arg14 : memref<250x80xi32, #tpu.memory_space<vmem>>)
        tpu.yield
      }) : () -> ()
      "tpu.region"() ({
        %run_scoped3A = tpu.sem_alloc : memref<!tpu.dma_semaphore, #tpu.memory_space<semaphore_mem>>
        %dma_start3A_21 = arith.constant 0 : i32
        %dma_start3A_22 = tpu.memref_slice %arg17[%mul3A_7, %dma_start3A_21] : memref<10240x128xbf16, #tpu.memory_space<vmem_shared>> -> memref<640x128xbf16, #tpu.memory_space<vmem_shared>>
        tpu.enqueue_dma source(%arg8 : memref<640x128xbf16, #tpu.memory_space<hbm>>) target(%dma_start3A_22 : memref<640x128xbf16, #tpu.memory_space<vmem_shared>>) target_semaphore(%run_scoped3A : memref<!tpu.dma_semaphore, #tpu.memory_space<semaphore_mem>>)
        %dma_wait3A = arith.constant 0 : i32
        %dma_wait3A_23 = tpu.memref_slice %arg17[%mul3A_7, %dma_wait3A] : memref<10240x128xbf16, #tpu.memory_space<vmem_shared>> -> memref<640x128xbf16, #tpu.memory_space<vmem_shared>>
        tpu.wait_dma2 semaphore(%run_scoped3A : memref<!tpu.dma_semaphore, #tpu.memory_space<semaphore_mem>>) src(%arg8 : memref<640x128xbf16, #tpu.memory_space<hbm>>) dst(%dma_wait3A_23 : memref<640x128xbf16, #tpu.memory_space<vmem_shared>>)
        tpu.yield
      }) : () -> ()
      %barrier3A = arith.constant 0 : index
      tpu.barrier barrier_id(%barrier3A)
      %dma_start3A = arith.constant 0 : i32
      %dma_start3A_8 = arith.constant 0 : i32
      %dma_start3A_9 = tpu.memref_slice %arg13[%dma_start3A, %dma_start3A_8] : memref<250x80xi32, #tpu.memory_space<vmem>> -> memref<1x80xi32, #tpu.memory_space<vmem>>
      %dma_start3A_10 = tpu.memref_squeeze %dma_start3A_9 : memref<1x80xi32, #tpu.memory_space<vmem>> -> memref<80xi32, #tpu.memory_space<vmem>>
      %dma_start3A_11 = arith.constant 0 : i32
      %dma_start3A_12 = arith.constant 0 : i32
      %dma_start3A_13 = tpu.memref_slice %arg3[%dma_start3A_11, %dma_start3A_12] : memref<10000x128xbf16, #tpu.memory_space<hbm>> -> memref<10000x128xbf16, #tpu.memory_space<hbm>>
      tpu.enqueue_indirect_dma source(%dma_start3A_13 : memref<10000x128xbf16, #tpu.memory_space<hbm>>) target(%arg15 : memref<80x128xbf16, #tpu.memory_space<vmem>>) offsets(%dma_start3A_10 : memref<80xi32, #tpu.memory_space<vmem>>) semaphore(%arg18 : memref<!tpu.dma_semaphore, #tpu.memory_space<semaphore_mem>>)
      %scan3A = arith.constant 0 : i32
      %scan3A_14 = arith.constant 0 : i32
      %scan3A_15 = arith.constant 125 : i32
      %scan3A_16 = arith.addi %scan3A_14, %scan3A_15 : i32
      %scan3A_17 = arith.constant 1 : i32
      %scan3A_18 = scf.for %scan3A_21 = %scan3A_14 to %scan3A_16 step %scan3A_17 iter_args(%scan3A_22 = %scan3A) -> (i32)  : i32 {
        %mul3A_23 = arith.constant 2 : i32
        %mul3A_24 = arith.muli %scan3A_21, %mul3A_23 : i32
        %add3A = arith.constant 1 : i32
        %add3A_25 = arith.addi %mul3A_24, %add3A : i32
        %dma_start3A_26 = arith.constant 0 : i32
        %dma_start3A_27 = tpu.memref_slice %arg13[%add3A_25, %dma_start3A_26] : memref<250x80xi32, #tpu.memory_space<vmem>> -> memref<1x80xi32, #tpu.memory_space<vmem>>
        %dma_start3A_28 = tpu.memref_squeeze %dma_start3A_27 : memref<1x80xi32, #tpu.memory_space<vmem>> -> memref<80xi32, #tpu.memory_space<vmem>>
        %dma_start3A_29 = arith.constant 0 : i32
        %dma_start3A_30 = arith.constant 0 : i32
        %dma_start3A_31 = tpu.memref_slice %arg3[%dma_start3A_29, %dma_start3A_30] : memref<10000x128xbf16, #tpu.memory_space<hbm>> -> memref<10000x128xbf16, #tpu.memory_space<hbm>>
        tpu.enqueue_indirect_dma source(%dma_start3A_31 : memref<10000x128xbf16, #tpu.memory_space<hbm>>) target(%arg16 : memref<80x128xbf16, #tpu.memory_space<vmem>>) offsets(%dma_start3A_28 : memref<80xi32, #tpu.memory_space<vmem>>) semaphore(%arg19 : memref<!tpu.dma_semaphore, #tpu.memory_space<semaphore_mem>>)
        %dma_wait3A = arith.constant 0 : i32
        %dma_wait3A_32 = tpu.memref_slice %arg13[%mul3A_24, %dma_wait3A] : memref<250x80xi32, #tpu.memory_space<vmem>> -> memref<1x80xi32, #tpu.memory_space<vmem>>
        %dma_wait3A_33 = tpu.memref_squeeze %dma_wait3A_32 : memref<1x80xi32, #tpu.memory_space<vmem>> -> memref<80xi32, #tpu.memory_space<vmem>>
        %dma_wait3A_34 = arith.constant 0 : i32
        %dma_wait3A_35 = arith.constant 0 : i32
        %dma_wait3A_36 = tpu.memref_slice %arg3[%dma_wait3A_34, %dma_wait3A_35] : memref<10000x128xbf16, #tpu.memory_space<hbm>> -> memref<10000x128xbf16, #tpu.memory_space<hbm>>
        tpu.wait_indirect_dma semaphore(%arg18 : memref<!tpu.dma_semaphore, #tpu.memory_space<semaphore_mem>>) src(%dma_wait3A_36 : memref<10000x128xbf16, #tpu.memory_space<hbm>>) dst(%arg15 : memref<80x128xbf16, #tpu.memory_space<vmem>>)
        "tpu.region"() ({
          %run_scoped3A = tpu.sem_alloc : memref<!tpu.dma_semaphore, #tpu.memory_space<semaphore_mem>>
          %dma_start3A_54 = arith.constant 0 : i32
          %dma_start3A_55 = tpu.memref_slice %arg14[%mul3A_24, %dma_start3A_54] : memref<250x80xi32, #tpu.memory_space<vmem>> -> memref<1x80xi32, #tpu.memory_space<vmem>>
          %dma_start3A_56 = tpu.memref_squeeze %dma_start3A_55 : memref<1x80xi32, #tpu.memory_space<vmem>> -> memref<80xi32, #tpu.memory_space<vmem>>
          %dma_start3A_57 = arith.constant 0 : i32
          %dma_start3A_58 = arith.constant 0 : i32
          %dma_start3A_59 = tpu.memref_slice %arg17[%dma_start3A_57, %dma_start3A_58] : memref<10240x128xbf16, #tpu.memory_space<vmem_shared>> -> memref<10240x128xbf16, #tpu.memory_space<vmem_shared>>
          tpu.enqueue_indirect_dma source(%arg15 : memref<80x128xbf16, #tpu.memory_space<vmem>>) target(%dma_start3A_59 : memref<10240x128xbf16, #tpu.memory_space<vmem_shared>>) offsets(%dma_start3A_56 : memref<80xi32, #tpu.memory_space<vmem>>) semaphore(%run_scoped3A : memref<!tpu.dma_semaphore, #tpu.memory_space<semaphore_mem>>) {add = true}
          %dma_wait3A_60 = arith.constant 0 : i32
          %dma_wait3A_61 = tpu.memref_slice %arg14[%mul3A_24, %dma_wait3A_60] : memref<250x80xi32, #tpu.memory_space<vmem>> -> memref<1x80xi32, #tpu.memory_space<vmem>>
          %dma_wait3A_62 = tpu.memref_squeeze %dma_wait3A_61 : memref<1x80xi32, #tpu.memory_space<vmem>> -> memref<80xi32, #tpu.memory_space<vmem>>
          %dma_wait3A_63 = arith.constant 0 : i32
          %dma_wait3A_64 = arith.constant 0 : i32
          %dma_wait3A_65 = tpu.memref_slice %arg17[%dma_wait3A_63, %dma_wait3A_64] : memref<10240x128xbf16, #tpu.memory_space<vmem_shared>> -> memref<10240x128xbf16, #tpu.memory_space<vmem_shared>>
          tpu.wait_indirect_dma semaphore(%run_scoped3A : memref<!tpu.dma_semaphore, #tpu.memory_space<semaphore_mem>>) src(%arg15 : memref<80x128xbf16, #tpu.memory_space<vmem>>) dst(%dma_wait3A_65 : memref<10240x128xbf16, #tpu.memory_space<vmem_shared>>)
          tpu.yield
        }) : () -> ()
        %add3A_37 = arith.constant 2 : i32
        %add3A_38 = arith.addi %mul3A_24, %add3A_37 : i32
        %lt3A = arith.constant 250 : i32
        %lt3A_39 = arith.cmpi slt, %add3A_38, %lt3A : i32
        %convert_element_type3A_40 = arith.extui %lt3A_39 : i1 to i32
        %cond3A_41 = arith.constant 0 : i32
        %cond3A_42 = arith.cmpi ne, %convert_element_type3A_40, %cond3A_41 : i32
        scf.if %cond3A_42 {
          %add3A_54 = arith.constant 2 : i32
          %add3A_55 = arith.addi %mul3A_24, %add3A_54 : i32
          %dma_start3A_56 = arith.constant 0 : i32
          %dma_start3A_57 = tpu.memref_slice %arg13[%add3A_55, %dma_start3A_56] : memref<250x80xi32, #tpu.memory_space<vmem>> -> memref<1x80xi32, #tpu.memory_space<vmem>>
          %dma_start3A_58 = tpu.memref_squeeze %dma_start3A_57 : memref<1x80xi32, #tpu.memory_space<vmem>> -> memref<80xi32, #tpu.memory_space<vmem>>
          %dma_start3A_59 = arith.constant 0 : i32
          %dma_start3A_60 = arith.constant 0 : i32
          %dma_start3A_61 = tpu.memref_slice %arg3[%dma_start3A_59, %dma_start3A_60] : memref<10000x128xbf16, #tpu.memory_space<hbm>> -> memref<10000x128xbf16, #tpu.memory_space<hbm>>
          tpu.enqueue_indirect_dma source(%dma_start3A_61 : memref<10000x128xbf16, #tpu.memory_space<hbm>>) target(%arg15 : memref<80x128xbf16, #tpu.memory_space<vmem>>) offsets(%dma_start3A_58 : memref<80xi32, #tpu.memory_space<vmem>>) semaphore(%arg18 : memref<!tpu.dma_semaphore, #tpu.memory_space<semaphore_mem>>)
        } else {
        }
        %add3A_43 = arith.constant 1 : i32
        %add3A_44 = arith.addi %mul3A_24, %add3A_43 : i32
        %dma_wait3A_45 = arith.constant 0 : i32
        %dma_wait3A_46 = tpu.memref_slice %arg13[%add3A_44, %dma_wait3A_45] : memref<250x80xi32, #tpu.memory_space<vmem>> -> memref<1x80xi32, #tpu.memory_space<vmem>>
        %dma_wait3A_47 = tpu.memref_squeeze %dma_wait3A_46 : memref<1x80xi32, #tpu.memory_space<vmem>> -> memref<80xi32, #tpu.memory_space<vmem>>
        %dma_wait3A_48 = arith.constant 0 : i32
        %dma_wait3A_49 = arith.constant 0 : i32
        %dma_wait3A_50 = tpu.memref_slice %arg3[%dma_wait3A_48, %dma_wait3A_49] : memref<10000x128xbf16, #tpu.memory_space<hbm>> -> memref<10000x128xbf16, #tpu.memory_space<hbm>>
        tpu.wait_indirect_dma semaphore(%arg19 : memref<!tpu.dma_semaphore, #tpu.memory_space<semaphore_mem>>) src(%dma_wait3A_50 : memref<10000x128xbf16, #tpu.memory_space<hbm>>) dst(%arg16 : memref<80x128xbf16, #tpu.memory_space<vmem>>)
        %add3A_51 = arith.constant 1 : i32
        %add3A_52 = arith.addi %mul3A_24, %add3A_51 : i32
        "tpu.region"() ({
          %run_scoped3A = tpu.sem_alloc : memref<!tpu.dma_semaphore, #tpu.memory_space<semaphore_mem>>
          %dma_start3A_54 = arith.constant 0 : i32
          %dma_start3A_55 = tpu.memref_slice %arg14[%add3A_52, %dma_start3A_54] : memref<250x80xi32, #tpu.memory_space<vmem>> -> memref<1x80xi32, #tpu.memory_space<vmem>>
          %dma_start3A_56 = tpu.memref_squeeze %dma_start3A_55 : memref<1x80xi32, #tpu.memory_space<vmem>> -> memref<80xi32, #tpu.memory_space<vmem>>
          %dma_start3A_57 = arith.constant 0 : i32
          %dma_start3A_58 = arith.constant 0 : i32
          %dma_start3A_59 = tpu.memref_slice %arg17[%dma_start3A_57, %dma_start3A_58] : memref<10240x128xbf16, #tpu.memory_space<vmem_shared>> -> memref<10240x128xbf16, #tpu.memory_space<vmem_shared>>
          tpu.enqueue_indirect_dma source(%arg16 : memref<80x128xbf16, #tpu.memory_space<vmem>>) target(%dma_start3A_59 : memref<10240x128xbf16, #tpu.memory_space<vmem_shared>>) offsets(%dma_start3A_56 : memref<80xi32, #tpu.memory_space<vmem>>) semaphore(%run_scoped3A : memref<!tpu.dma_semaphore, #tpu.memory_space<semaphore_mem>>) {add = true}
          %dma_wait3A_60 = arith.constant 0 : i32
          %dma_wait3A_61 = tpu.memref_slice %arg14[%add3A_52, %dma_wait3A_60] : memref<250x80xi32, #tpu.memory_space<vmem>> -> memref<1x80xi32, #tpu.memory_space<vmem>>
          %dma_wait3A_62 = tpu.memref_squeeze %dma_wait3A_61 : memref<1x80xi32, #tpu.memory_space<vmem>> -> memref<80xi32, #tpu.memory_space<vmem>>
          %dma_wait3A_63 = arith.constant 0 : i32
          %dma_wait3A_64 = arith.constant 0 : i32
          %dma_wait3A_65 = tpu.memref_slice %arg17[%dma_wait3A_63, %dma_wait3A_64] : memref<10240x128xbf16, #tpu.memory_space<vmem_shared>> -> memref<10240x128xbf16, #tpu.memory_space<vmem_shared>>
          tpu.wait_indirect_dma semaphore(%run_scoped3A : memref<!tpu.dma_semaphore, #tpu.memory_space<semaphore_mem>>) src(%arg16 : memref<80x128xbf16, #tpu.memory_space<vmem>>) dst(%dma_wait3A_65 : memref<10240x128xbf16, #tpu.memory_space<vmem_shared>>)
          tpu.yield
        }) : () -> ()
        %scan3A_53 = arith.constant 0 : i32
        scf.yield %scan3A_53 : i32
      }
      %scan3A_19 = arith.constant 125 : i32
      %barrier3A_20 = arith.constant 0 : index
      tpu.barrier barrier_id(%barrier3A_20)
      "tpu.region"() ({
        %run_scoped3A = tpu.sem_alloc : memref<!tpu.dma_semaphore, #tpu.memory_space<semaphore_mem>>
        %dma_start3A_21 = arith.constant 0 : i32
        %dma_start3A_22 = tpu.memref_slice %arg12[%mul3A_7, %dma_start3A_21] : memref<10240x128xbf16, #tpu.memory_space<hbm>> -> memref<640x128xbf16, #tpu.memory_space<hbm>>
        %dma_start3A_23 = arith.constant 0 : i32
        %dma_start3A_24 = tpu.memref_slice %arg17[%mul3A_7, %dma_start3A_23] : memref<10240x128xbf16, #tpu.memory_space<vmem_shared>> -> memref<640x128xbf16, #tpu.memory_space<vmem_shared>>
        tpu.enqueue_dma source(%dma_start3A_24 : memref<640x128xbf16, #tpu.memory_space<vmem_shared>>) target(%dma_start3A_22 : memref<640x128xbf16, #tpu.memory_space<hbm>>) target_semaphore(%run_scoped3A : memref<!tpu.dma_semaphore, #tpu.memory_space<semaphore_mem>>)
        %dma_wait3A = arith.constant 0 : i32
        %dma_wait3A_25 = tpu.memref_slice %arg12[%mul3A_7, %dma_wait3A] : memref<10240x128xbf16, #tpu.memory_space<hbm>> -> memref<640x128xbf16, #tpu.memory_space<hbm>>
        %dma_wait3A_26 = arith.constant 0 : i32
        %dma_wait3A_27 = tpu.memref_slice %arg17[%mul3A_7, %dma_wait3A_26] : memref<10240x128xbf16, #tpu.memory_space<vmem_shared>> -> memref<640x128xbf16, #tpu.memory_space<vmem_shared>>
        tpu.wait_dma2 semaphore(%run_scoped3A : memref<!tpu.dma_semaphore, #tpu.memory_space<semaphore_mem>>) src(%dma_wait3A_27 : memref<640x128xbf16, #tpu.memory_space<vmem_shared>>) dst(%dma_wait3A_25 : memref<640x128xbf16, #tpu.memory_space<hbm>>)
        tpu.yield
      }) : () -> ()
    } else {
    }
    return
  }
}

module attributes {stable_mosaic.version = 14 : i64} {
  func.func @_pre_body(%arg0: i32, %arg1: memref<2000x128xf32, #tpu.memory_space<vmem>>, %arg2: memref<128x128xf32, #tpu.memory_space<vmem>>, %arg3: memref<2000x128xf32, #tpu.memory_space<vmem>>, %arg4: memref<128x128xf32, #tpu.memory_space<vmem>>, %arg5: memref<2000x128xbf16, #tpu.memory_space<vmem>>, %arg6: memref<2000x128xbf16, #tpu.memory_space<vmem>>) attributes {dimension_semantics = [#tpu.dimension_semantics<arbitrary>], iteration_bounds = array<i64: 5>, scalar_prefetch = 0 : i64, scratch_operands = 0 : i64, tpu.core_type = #tpu.core_type<tc>, window_params = [{transform_indices = @transform_0, window_bounds = array<i64: 2000, 128>}, {pipeline_mode = #tpu.pipeline_mode<synchronous>, transform_indices = @transform_1, window_bounds = array<i64: 128, 128>}, {transform_indices = @transform_2, window_bounds = array<i64: 2000, 128>}, {pipeline_mode = #tpu.pipeline_mode<synchronous>, transform_indices = @transform_3, window_bounds = array<i64: 128, 128>}, {transform_indices = @transform_4, window_bounds = array<i64: 2000, 128>}, {transform_indices = @transform_5, window_bounds = array<i64: 2000, 128>}]} {
    %get3A = arith.constant 0 : index
    %get3A_0 = arith.constant 0 : index
    %get3A_1 = vector.load %arg1[%get3A, %get3A_0] : memref<2000x128xf32, #tpu.memory_space<vmem>>, vector<2000x128xf32>
    %get3A_2 = arith.constant 0 : index
    %get3A_3 = arith.constant 0 : index
    %get3A_4 = vector.load %arg2[%get3A_2, %get3A_3] : memref<128x128xf32, #tpu.memory_space<vmem>>, vector<128x128xf32>
    %dot_general3A = arith.constant dense<0.000000e+00> : vector<2000x128xf32>
    %dot_general3A_5 = tpu.matmul %get3A_1, %get3A_4, %dot_general3A {dimension_numbers = #tpu.dot_dimension_numbers<[1], [1], [0], [0], [0, 0, 1, 0], [], []>, precision = #tpu.contract_precision<fp32>, transpose_lhs_hint = false} : vector<2000x128xf32>, vector<128x128xf32>, vector<2000x128xf32> -> vector<2000x128xf32>
    %convert_element_type3A = arith.truncf %dot_general3A_5 : vector<2000x128xf32> to vector<2000x128xbf16>
    %swap3A = arith.constant 0 : index
    %swap3A_6 = arith.constant 0 : index
    %swap3A_7 = vector.load %arg5[%swap3A, %swap3A_6] : memref<2000x128xbf16, #tpu.memory_space<vmem>>, vector<2000x128xbf16>
    tpu.vector_store %arg5[%swap3A, %swap3A_6], %convert_element_type3A {strides = array<i32>} : memref<2000x128xbf16, #tpu.memory_space<vmem>>, vector<2000x128xbf16>,
    %get3A_8 = arith.constant 0 : index
    %get3A_9 = arith.constant 0 : index
    %get3A_10 = vector.load %arg3[%get3A_8, %get3A_9] : memref<2000x128xf32, #tpu.memory_space<vmem>>, vector<2000x128xf32>
    %get3A_11 = arith.constant 0 : index
    %get3A_12 = arith.constant 0 : index
    %get3A_13 = vector.load %arg4[%get3A_11, %get3A_12] : memref<128x128xf32, #tpu.memory_space<vmem>>, vector<128x128xf32>
    %dot_general3A_14 = arith.constant dense<0.000000e+00> : vector<2000x128xf32>
    %dot_general3A_15 = tpu.matmul %get3A_10, %get3A_13, %dot_general3A_14 {dimension_numbers = #tpu.dot_dimension_numbers<[1], [1], [0], [0], [0, 0, 1, 0], [], []>, precision = #tpu.contract_precision<fp32>, transpose_lhs_hint = false} : vector<2000x128xf32>, vector<128x128xf32>, vector<2000x128xf32> -> vector<2000x128xf32>
    %convert_element_type3A_16 = arith.truncf %dot_general3A_15 : vector<2000x128xf32> to vector<2000x128xbf16>
    %swap3A_17 = arith.constant 0 : index
    %swap3A_18 = arith.constant 0 : index
    %swap3A_19 = vector.load %arg6[%swap3A_17, %swap3A_18] : memref<2000x128xbf16, #tpu.memory_space<vmem>>, vector<2000x128xbf16>
    tpu.vector_store %arg6[%swap3A_17, %swap3A_18], %convert_element_type3A_16 {strides = array<i32>} : memref<2000x128xbf16, #tpu.memory_space<vmem>>, vector<2000x128xbf16>,
    return
  }
  func.func @transform_0(%arg0: i32) -> (i32, i32) {
    %c0_i32 = arith.constant 0 : i32
    %c0_i32_0 = arith.constant 0 : i32
    return %arg0, %c0_i32 : i32, i32
  }
  func.func @transform_1(%arg0: i32) -> (i32, i32) {
    %c0_i32 = arith.constant 0 : i32
    %c0_i32_0 = arith.constant 0 : i32
    %c0_i32_1 = arith.constant 0 : i32
    return %c0_i32, %c0_i32_0 : i32, i32
  }
  func.func @transform_2(%arg0: i32) -> (i32, i32) {
    %c0_i32 = arith.constant 0 : i32
    %c0_i32_0 = arith.constant 0 : i32
    return %arg0, %c0_i32 : i32, i32
  }
  func.func @transform_3(%arg0: i32) -> (i32, i32) {
    %c0_i32 = arith.constant 0 : i32
    %c0_i32_0 = arith.constant 0 : i32
    %c0_i32_1 = arith.constant 0 : i32
    return %c0_i32, %c0_i32_0 : i32, i32
  }
  func.func @transform_4(%arg0: i32) -> (i32, i32) {
    %c0_i32 = arith.constant 0 : i32
    %c0_i32_0 = arith.constant 0 : i32
    return %arg0, %c0_i32 : i32, i32
  }
  func.func @transform_5(%arg0: i32) -> (i32, i32) {
    %c0_i32 = arith.constant 0 : i32
    %c0_i32_0 = arith.constant 0 : i32
    return %arg0, %c0_i32 : i32, i32
  }
}

module attributes {stable_mosaic.version = 14 : i64} {
  func.func @_mid_body(%arg0: i32, %arg1: memref<2000x128xbf16, #tpu.memory_space<vmem>>, %arg2: memref<2000x16xf32, #tpu.memory_space<vmem>>, %arg3: memref<1x128xf32, #tpu.memory_space<vmem>>, %arg4: memref<2000x128xf32, #tpu.memory_space<vmem>>, %arg5: memref<128x128xf32, #tpu.memory_space<vmem>>, %arg6: memref<2000x128xbf16, #tpu.memory_space<vmem>>, %arg7: memref<2000x16xf32, #tpu.memory_space<vmem>>, %arg8: memref<1x128xf32, #tpu.memory_space<vmem>>, %arg9: memref<2000x128xf32, #tpu.memory_space<vmem>>, %arg10: memref<128x128xf32, #tpu.memory_space<vmem>>, %arg11: memref<128x128xf32, #tpu.memory_space<vmem>>, %arg12: memref<128x128xf32, #tpu.memory_space<vmem>>, %arg13: memref<2000x128xf32, #tpu.memory_space<vmem>>, %arg14: memref<2000x128xf32, #tpu.memory_space<vmem>>, %arg15: memref<2000x128xbf16, #tpu.memory_space<vmem>>, %arg16: memref<2000x128xbf16, #tpu.memory_space<vmem>>) attributes {dimension_semantics = [#tpu.dimension_semantics<arbitrary>], iteration_bounds = array<i64: 5>, scalar_prefetch = 0 : i64, scratch_operands = 0 : i64, tpu.core_type = #tpu.core_type<tc>, window_params = [{transform_indices = @transform_0, window_bounds = array<i64: 2000, 128>}, {transform_indices = @transform_1, window_bounds = array<i64: 2000, 16>}, {pipeline_mode = #tpu.pipeline_mode<synchronous>, transform_indices = @transform_2, window_bounds = array<i64: 1, 128>}, {transform_indices = @transform_3, window_bounds = array<i64: 2000, 128>}, {pipeline_mode = #tpu.pipeline_mode<synchronous>, transform_indices = @transform_4, window_bounds = array<i64: 128, 128>}, {transform_indices = @transform_5, window_bounds = array<i64: 2000, 128>}, {transform_indices = @transform_6, window_bounds = array<i64: 2000, 16>}, {pipeline_mode = #tpu.pipeline_mode<synchronous>, transform_indices = @transform_7, window_bounds = array<i64: 1, 128>}, {transform_indices = @transform_8, window_bounds = array<i64: 2000, 128>}, {pipeline_mode = #tpu.pipeline_mode<synchronous>, transform_indices = @transform_9, window_bounds = array<i64: 128, 128>}, {pipeline_mode = #tpu.pipeline_mode<synchronous>, transform_indices = @transform_10, window_bounds = array<i64: 128, 128>}, {pipeline_mode = #tpu.pipeline_mode<synchronous>, transform_indices = @transform_11, window_bounds = array<i64: 128, 128>}, {transform_indices = @transform_12, window_bounds = array<i64: 2000, 128>}, {transform_indices = @transform_13, window_bounds = array<i64: 2000, 128>}, {transform_indices = @transform_14, window_bounds = array<i64: 2000, 128>}, {transform_indices = @transform_15, window_bounds = array<i64: 2000, 128>}]} {
    %get3A = arith.constant 0 : index
    %get3A_0 = arith.constant 0 : index
    %get3A_1 = vector.load %arg1[%get3A, %get3A_0] : memref<2000x128xbf16, #tpu.memory_space<vmem>>, vector<2000x128xbf16>
    %get3A_2 = arith.constant 0 : index
    %get3A_3 = arith.constant 0 : index
    %get3A_4 = vector.load %arg2[%get3A_2, %get3A_3] : memref<2000x16xf32, #tpu.memory_space<vmem>>, vector<2000x16xf32>
    %get3A_5 = arith.constant 0 : index
    %get3A_6 = arith.constant 0 : index
    %get3A_7 = vector.load %arg3[%get3A_5, %get3A_6] : memref<1x128xf32, #tpu.memory_space<vmem>>, vector<1x128xf32>
    %get3A_8 = arith.constant 0 : index
    %get3A_9 = arith.constant 0 : index
    %get3A_10 = vector.load %arg4[%get3A_8, %get3A_9] : memref<2000x128xf32, #tpu.memory_space<vmem>>, vector<2000x128xf32>
    %get3A_11 = arith.constant 0 : index
    %get3A_12 = arith.constant 0 : index
    %get3A_13 = vector.load %arg5[%get3A_11, %get3A_12] : memref<128x128xf32, #tpu.memory_space<vmem>>, vector<128x128xf32>
    %slice3A = vector.extract_strided_slice %get3A_4 {offsets = [0, 0], sizes = [2000, 1], strides = [1, 1]} : vector<2000x16xf32> to vector<2000x1xf32>
    %max3A = arith.constant 1.000000e+00 : f32
    %max3A_14 = vector.broadcast %max3A : f32 to vector<2000x1xf32>
    %max3A_15 = arith.maximumf %slice3A, %max3A_14 : vector<2000x1xf32>
    %div3A = arith.constant 1.000000e+00 : f32
    %div3A_16 = vector.broadcast %div3A : f32 to vector<2000x1xf32>
    %div3A_17 = arith.divf %div3A_16, %max3A_15 : vector<2000x1xf32>
    %convert_element_type3A = arith.extf %get3A_1 : vector<2000x128xbf16> to vector<2000x128xf32>
    %mul3A = vector.broadcast %div3A_17 : vector<2000x1xf32> to vector<2000x128xf32>
    %mul3A_18 = arith.mulf %convert_element_type3A, %mul3A : vector<2000x128xf32>
    %add3A = vector.broadcast %get3A_7 : vector<1x128xf32> to vector<2000x128xf32>
    %add3A_19 = arith.addf %mul3A_18, %add3A : vector<2000x128xf32>
    %dot_general3A = arith.constant dense<0.000000e+00> : vector<2000x128xf32>
    %dot_general3A_20 = tpu.matmul %get3A_10, %get3A_13, %dot_general3A {dimension_numbers = #tpu.dot_dimension_numbers<[1], [1], [0], [0], [0, 0, 1, 0], [], []>, precision = #tpu.contract_precision<fp32>, transpose_lhs_hint = false} : vector<2000x128xf32>, vector<128x128xf32>, vector<2000x128xf32> -> vector<2000x128xf32>
    %add3A_21 = arith.addf %add3A_19, %dot_general3A_20 : vector<2000x128xf32>
    %max3A_22 = arith.constant 0.000000e+00 : f32
    %max3A_23 = vector.broadcast %max3A_22 : f32 to vector<2000x128xf32>
    %max3A_24 = arith.maximumf %add3A_21, %max3A_23 : vector<2000x128xf32>
    %get3A_25 = arith.constant 0 : index
    %get3A_26 = arith.constant 0 : index
    %get3A_27 = vector.load %arg6[%get3A_25, %get3A_26] : memref<2000x128xbf16, #tpu.memory_space<vmem>>, vector<2000x128xbf16>
    %get3A_28 = arith.constant 0 : index
    %get3A_29 = arith.constant 0 : index
    %get3A_30 = vector.load %arg7[%get3A_28, %get3A_29] : memref<2000x16xf32, #tpu.memory_space<vmem>>, vector<2000x16xf32>
    %get3A_31 = arith.constant 0 : index
    %get3A_32 = arith.constant 0 : index
    %get3A_33 = vector.load %arg8[%get3A_31, %get3A_32] : memref<1x128xf32, #tpu.memory_space<vmem>>, vector<1x128xf32>
    %get3A_34 = arith.constant 0 : index
    %get3A_35 = arith.constant 0 : index
    %get3A_36 = vector.load %arg9[%get3A_34, %get3A_35] : memref<2000x128xf32, #tpu.memory_space<vmem>>, vector<2000x128xf32>
    %get3A_37 = arith.constant 0 : index
    %get3A_38 = arith.constant 0 : index
    %get3A_39 = vector.load %arg10[%get3A_37, %get3A_38] : memref<128x128xf32, #tpu.memory_space<vmem>>, vector<128x128xf32>
    %slice3A_40 = vector.extract_strided_slice %get3A_30 {offsets = [0, 0], sizes = [2000, 1], strides = [1, 1]} : vector<2000x16xf32> to vector<2000x1xf32>
    %max3A_41 = arith.constant 1.000000e+00 : f32
    %max3A_42 = vector.broadcast %max3A_41 : f32 to vector<2000x1xf32>
    %max3A_43 = arith.maximumf %slice3A_40, %max3A_42 : vector<2000x1xf32>
    %div3A_44 = arith.constant 1.000000e+00 : f32
    %div3A_45 = vector.broadcast %div3A_44 : f32 to vector<2000x1xf32>
    %div3A_46 = arith.divf %div3A_45, %max3A_43 : vector<2000x1xf32>
    %convert_element_type3A_47 = arith.extf %get3A_27 : vector<2000x128xbf16> to vector<2000x128xf32>
    %mul3A_48 = vector.broadcast %div3A_46 : vector<2000x1xf32> to vector<2000x128xf32>
    %mul3A_49 = arith.mulf %convert_element_type3A_47, %mul3A_48 : vector<2000x128xf32>
    %add3A_50 = vector.broadcast %get3A_33 : vector<1x128xf32> to vector<2000x128xf32>
    %add3A_51 = arith.addf %mul3A_49, %add3A_50 : vector<2000x128xf32>
    %dot_general3A_52 = arith.constant dense<0.000000e+00> : vector<2000x128xf32>
    %dot_general3A_53 = tpu.matmul %get3A_36, %get3A_39, %dot_general3A_52 {dimension_numbers = #tpu.dot_dimension_numbers<[1], [1], [0], [0], [0, 0, 1, 0], [], []>, precision = #tpu.contract_precision<fp32>, transpose_lhs_hint = false} : vector<2000x128xf32>, vector<128x128xf32>, vector<2000x128xf32> -> vector<2000x128xf32>
    %add3A_54 = arith.addf %add3A_51, %dot_general3A_53 : vector<2000x128xf32>
    %max3A_55 = arith.constant 0.000000e+00 : f32
    %max3A_56 = vector.broadcast %max3A_55 : f32 to vector<2000x128xf32>
    %max3A_57 = arith.maximumf %add3A_54, %max3A_56 : vector<2000x128xf32>
    %swap3A = arith.constant 0 : index
    %swap3A_58 = arith.constant 0 : index
    %swap3A_59 = vector.load %arg13[%swap3A, %swap3A_58] : memref<2000x128xf32, #tpu.memory_space<vmem>>, vector<2000x128xf32>
    tpu.vector_store %arg13[%swap3A, %swap3A_58], %max3A_24 {strides = array<i32>} : memref<2000x128xf32, #tpu.memory_space<vmem>>, vector<2000x128xf32>,
    %swap3A_60 = arith.constant 0 : index
    %swap3A_61 = arith.constant 0 : index
    %swap3A_62 = vector.load %arg14[%swap3A_60, %swap3A_61] : memref<2000x128xf32, #tpu.memory_space<vmem>>, vector<2000x128xf32>
    tpu.vector_store %arg14[%swap3A_60, %swap3A_61], %max3A_57 {strides = array<i32>} : memref<2000x128xf32, #tpu.memory_space<vmem>>, vector<2000x128xf32>,
    %get3A_63 = arith.constant 0 : index
    %get3A_64 = arith.constant 0 : index
    %get3A_65 = vector.load %arg11[%get3A_63, %get3A_64] : memref<128x128xf32, #tpu.memory_space<vmem>>, vector<128x128xf32>
    %dot_general3A_66 = arith.constant dense<0.000000e+00> : vector<2000x128xf32>
    %dot_general3A_67 = tpu.matmul %max3A_57, %get3A_65, %dot_general3A_66 {dimension_numbers = #tpu.dot_dimension_numbers<[1], [1], [0], [0], [0, 0, 1, 0], [], []>, precision = #tpu.contract_precision<fp32>, transpose_lhs_hint = false} : vector<2000x128xf32>, vector<128x128xf32>, vector<2000x128xf32> -> vector<2000x128xf32>
    %convert_element_type3A_68 = arith.truncf %dot_general3A_67 : vector<2000x128xf32> to vector<2000x128xbf16>
    %swap3A_69 = arith.constant 0 : index
    %swap3A_70 = arith.constant 0 : index
    %swap3A_71 = vector.load %arg15[%swap3A_69, %swap3A_70] : memref<2000x128xbf16, #tpu.memory_space<vmem>>, vector<2000x128xbf16>
    tpu.vector_store %arg15[%swap3A_69, %swap3A_70], %convert_element_type3A_68 {strides = array<i32>} : memref<2000x128xbf16, #tpu.memory_space<vmem>>, vector<2000x128xbf16>,
    %get3A_72 = arith.constant 0 : index
    %get3A_73 = arith.constant 0 : index
    %get3A_74 = vector.load %arg12[%get3A_72, %get3A_73] : memref<128x128xf32, #tpu.memory_space<vmem>>, vector<128x128xf32>
    %dot_general3A_75 = arith.constant dense<0.000000e+00> : vector<2000x128xf32>
    %dot_general3A_76 = tpu.matmul %max3A_24, %get3A_74, %dot_general3A_75 {dimension_numbers = #tpu.dot_dimension_numbers<[1], [1], [0], [0], [0, 0, 1, 0], [], []>, precision = #tpu.contract_precision<fp32>, transpose_lhs_hint = false} : vector<2000x128xf32>, vector<128x128xf32>, vector<2000x128xf32> -> vector<2000x128xf32>
    %convert_element_type3A_77 = arith.truncf %dot_general3A_76 : vector<2000x128xf32> to vector<2000x128xbf16>
    %swap3A_78 = arith.constant 0 : index
    %swap3A_79 = arith.constant 0 : index
    %swap3A_80 = vector.load %arg16[%swap3A_78, %swap3A_79] : memref<2000x128xbf16, #tpu.memory_space<vmem>>, vector<2000x128xbf16>
    tpu.vector_store %arg16[%swap3A_78, %swap3A_79], %convert_element_type3A_77 {strides = array<i32>} : memref<2000x128xbf16, #tpu.memory_space<vmem>>, vector<2000x128xbf16>,
    return
  }
  func.func @transform_0(%arg0: i32) -> (i32, i32) {
    %c0_i32 = arith.constant 0 : i32
    %c0_i32_0 = arith.constant 0 : i32
    return %arg0, %c0_i32 : i32, i32
  }
  func.func @transform_1(%arg0: i32) -> (i32, i32) {
    %c0_i32 = arith.constant 0 : i32
    %c0_i32_0 = arith.constant 0 : i32
    return %arg0, %c0_i32 : i32, i32
  }
  func.func @transform_2(%arg0: i32) -> (i32, i32) {
    %c0_i32 = arith.constant 0 : i32
    %c0_i32_0 = arith.constant 0 : i32
    %c0_i32_1 = arith.constant 0 : i32
    return %c0_i32, %c0_i32_0 : i32, i32
  }
  func.func @transform_3(%arg0: i32) -> (i32, i32) {
    %c0_i32 = arith.constant 0 : i32
    %c0_i32_0 = arith.constant 0 : i32
    return %arg0, %c0_i32 : i32, i32
  }
  func.func @transform_4(%arg0: i32) -> (i32, i32) {
    %c0_i32 = arith.constant 0 : i32
    %c0_i32_0 = arith.constant 0 : i32
    %c0_i32_1 = arith.constant 0 : i32
    return %c0_i32, %c0_i32_0 : i32, i32
  }
  func.func @transform_5(%arg0: i32) -> (i32, i32) {
    %c0_i32 = arith.constant 0 : i32
    %c0_i32_0 = arith.constant 0 : i32
    return %arg0, %c0_i32 : i32, i32
  }
  func.func @transform_6(%arg0: i32) -> (i32, i32) {
    %c0_i32 = arith.constant 0 : i32
    %c0_i32_0 = arith.constant 0 : i32
    return %arg0, %c0_i32 : i32, i32
  }
  func.func @transform_7(%arg0: i32) -> (i32, i32) {
    %c0_i32 = arith.constant 0 : i32
    %c0_i32_0 = arith.constant 0 : i32
    %c0_i32_1 = arith.constant 0 : i32
    return %c0_i32, %c0_i32_0 : i32, i32
  }
  func.func @transform_8(%arg0: i32) -> (i32, i32) {
    %c0_i32 = arith.constant 0 : i32
    %c0_i32_0 = arith.constant 0 : i32
    return %arg0, %c0_i32 : i32, i32
  }
  func.func @transform_9(%arg0: i32) -> (i32, i32) {
    %c0_i32 = arith.constant 0 : i32
    %c0_i32_0 = arith.constant 0 : i32
    %c0_i32_1 = arith.constant 0 : i32
    return %c0_i32, %c0_i32_0 : i32, i32
  }
  func.func @transform_10(%arg0: i32) -> (i32, i32) {
    %c0_i32 = arith.constant 0 : i32
    %c0_i32_0 = arith.constant 0 : i32
    %c0_i32_1 = arith.constant 0 : i32
    return %c0_i32, %c0_i32_0 : i32, i32
  }
  func.func @transform_11(%arg0: i32) -> (i32, i32) {
    %c0_i32 = arith.constant 0 : i32
    %c0_i32_0 = arith.constant 0 : i32
    %c0_i32_1 = arith.constant 0 : i32
    return %c0_i32, %c0_i32_0 : i32, i32
  }
  func.func @transform_12(%arg0: i32) -> (i32, i32) {
    %c0_i32 = arith.constant 0 : i32
    %c0_i32_0 = arith.constant 0 : i32
    return %arg0, %c0_i32 : i32, i32
  }
  func.func @transform_13(%arg0: i32) -> (i32, i32) {
    %c0_i32 = arith.constant 0 : i32
    %c0_i32_0 = arith.constant 0 : i32
    return %arg0, %c0_i32 : i32, i32
  }
  func.func @transform_14(%arg0: i32) -> (i32, i32) {
    %c0_i32 = arith.constant 0 : i32
    %c0_i32_0 = arith.constant 0 : i32
    return %arg0, %c0_i32 : i32, i32
  }
  func.func @transform_15(%arg0: i32) -> (i32, i32) {
    %c0_i32 = arith.constant 0 : i32
    %c0_i32_0 = arith.constant 0 : i32
    return %arg0, %c0_i32 : i32, i32
  }
}

module attributes {stable_mosaic.version = 14 : i64} {
  func.func @_post_body(%arg0: i32, %arg1: memref<2000x128xbf16, #tpu.memory_space<vmem>>, %arg2: memref<2000x16xf32, #tpu.memory_space<vmem>>, %arg3: memref<1x128xf32, #tpu.memory_space<vmem>>, %arg4: memref<2000x128xf32, #tpu.memory_space<vmem>>, %arg5: memref<128x128xf32, #tpu.memory_space<vmem>>, %arg6: memref<2000x128xbf16, #tpu.memory_space<vmem>>, %arg7: memref<2000x16xf32, #tpu.memory_space<vmem>>, %arg8: memref<1x128xf32, #tpu.memory_space<vmem>>, %arg9: memref<2000x128xf32, #tpu.memory_space<vmem>>, %arg10: memref<128x128xf32, #tpu.memory_space<vmem>>, %arg11: memref<2000x128xf32, #tpu.memory_space<vmem>>, %arg12: memref<2000x128xf32, #tpu.memory_space<vmem>>) attributes {dimension_semantics = [#tpu.dimension_semantics<arbitrary>], iteration_bounds = array<i64: 5>, scalar_prefetch = 0 : i64, scratch_operands = 0 : i64, tpu.core_type = #tpu.core_type<tc>, window_params = [{transform_indices = @transform_0, window_bounds = array<i64: 2000, 128>}, {transform_indices = @transform_1, window_bounds = array<i64: 2000, 16>}, {pipeline_mode = #tpu.pipeline_mode<synchronous>, transform_indices = @transform_2, window_bounds = array<i64: 1, 128>}, {transform_indices = @transform_3, window_bounds = array<i64: 2000, 128>}, {pipeline_mode = #tpu.pipeline_mode<synchronous>, transform_indices = @transform_4, window_bounds = array<i64: 128, 128>}, {transform_indices = @transform_5, window_bounds = array<i64: 2000, 128>}, {transform_indices = @transform_6, window_bounds = array<i64: 2000, 16>}, {pipeline_mode = #tpu.pipeline_mode<synchronous>, transform_indices = @transform_7, window_bounds = array<i64: 1, 128>}, {transform_indices = @transform_8, window_bounds = array<i64: 2000, 128>}, {pipeline_mode = #tpu.pipeline_mode<synchronous>, transform_indices = @transform_9, window_bounds = array<i64: 128, 128>}, {transform_indices = @transform_10, window_bounds = array<i64: 2000, 128>}, {transform_indices = @transform_11, window_bounds = array<i64: 2000, 128>}]} {
    %get3A = arith.constant 0 : index
    %get3A_0 = arith.constant 0 : index
    %get3A_1 = vector.load %arg1[%get3A, %get3A_0] : memref<2000x128xbf16, #tpu.memory_space<vmem>>, vector<2000x128xbf16>
    %get3A_2 = arith.constant 0 : index
    %get3A_3 = arith.constant 0 : index
    %get3A_4 = vector.load %arg2[%get3A_2, %get3A_3] : memref<2000x16xf32, #tpu.memory_space<vmem>>, vector<2000x16xf32>
    %get3A_5 = arith.constant 0 : index
    %get3A_6 = arith.constant 0 : index
    %get3A_7 = vector.load %arg3[%get3A_5, %get3A_6] : memref<1x128xf32, #tpu.memory_space<vmem>>, vector<1x128xf32>
    %get3A_8 = arith.constant 0 : index
    %get3A_9 = arith.constant 0 : index
    %get3A_10 = vector.load %arg4[%get3A_8, %get3A_9] : memref<2000x128xf32, #tpu.memory_space<vmem>>, vector<2000x128xf32>
    %get3A_11 = arith.constant 0 : index
    %get3A_12 = arith.constant 0 : index
    %get3A_13 = vector.load %arg5[%get3A_11, %get3A_12] : memref<128x128xf32, #tpu.memory_space<vmem>>, vector<128x128xf32>
    %slice3A = vector.extract_strided_slice %get3A_4 {offsets = [0, 0], sizes = [2000, 1], strides = [1, 1]} : vector<2000x16xf32> to vector<2000x1xf32>
    %max3A = arith.constant 1.000000e+00 : f32
    %max3A_14 = vector.broadcast %max3A : f32 to vector<2000x1xf32>
    %max3A_15 = arith.maximumf %slice3A, %max3A_14 : vector<2000x1xf32>
    %div3A = arith.constant 1.000000e+00 : f32
    %div3A_16 = vector.broadcast %div3A : f32 to vector<2000x1xf32>
    %div3A_17 = arith.divf %div3A_16, %max3A_15 : vector<2000x1xf32>
    %convert_element_type3A = arith.extf %get3A_1 : vector<2000x128xbf16> to vector<2000x128xf32>
    %mul3A = vector.broadcast %div3A_17 : vector<2000x1xf32> to vector<2000x128xf32>
    %mul3A_18 = arith.mulf %convert_element_type3A, %mul3A : vector<2000x128xf32>
    %add3A = vector.broadcast %get3A_7 : vector<1x128xf32> to vector<2000x128xf32>
    %add3A_19 = arith.addf %mul3A_18, %add3A : vector<2000x128xf32>
    %dot_general3A = arith.constant dense<0.000000e+00> : vector<2000x128xf32>
    %dot_general3A_20 = tpu.matmul %get3A_10, %get3A_13, %dot_general3A {dimension_numbers = #tpu.dot_dimension_numbers<[1], [1], [0], [0], [0, 0, 1, 0], [], []>, precision = #tpu.contract_precision<fp32>, transpose_lhs_hint = false} : vector<2000x128xf32>, vector<128x128xf32>, vector<2000x128xf32> -> vector<2000x128xf32>
    %add3A_21 = arith.addf %add3A_19, %dot_general3A_20 : vector<2000x128xf32>
    %max3A_22 = arith.constant 0.000000e+00 : f32
    %max3A_23 = vector.broadcast %max3A_22 : f32 to vector<2000x128xf32>
    %max3A_24 = arith.maximumf %add3A_21, %max3A_23 : vector<2000x128xf32>
    %swap3A = arith.constant 0 : index
    %swap3A_25 = arith.constant 0 : index
    %swap3A_26 = vector.load %arg11[%swap3A, %swap3A_25] : memref<2000x128xf32, #tpu.memory_space<vmem>>, vector<2000x128xf32>
    tpu.vector_store %arg11[%swap3A, %swap3A_25], %max3A_24 {strides = array<i32>} : memref<2000x128xf32, #tpu.memory_space<vmem>>, vector<2000x128xf32>,
    %get3A_27 = arith.constant 0 : index
    %get3A_28 = arith.constant 0 : index
    %get3A_29 = vector.load %arg6[%get3A_27, %get3A_28] : memref<2000x128xbf16, #tpu.memory_space<vmem>>, vector<2000x128xbf16>
    %get3A_30 = arith.constant 0 : index
    %get3A_31 = arith.constant 0 : index
    %get3A_32 = vector.load %arg7[%get3A_30, %get3A_31] : memref<2000x16xf32, #tpu.memory_space<vmem>>, vector<2000x16xf32>
    %get3A_33 = arith.constant 0 : index
    %get3A_34 = arith.constant 0 : index
    %get3A_35 = vector.load %arg8[%get3A_33, %get3A_34] : memref<1x128xf32, #tpu.memory_space<vmem>>, vector<1x128xf32>
    %get3A_36 = arith.constant 0 : index
    %get3A_37 = arith.constant 0 : index
    %get3A_38 = vector.load %arg9[%get3A_36, %get3A_37] : memref<2000x128xf32, #tpu.memory_space<vmem>>, vector<2000x128xf32>
    %get3A_39 = arith.constant 0 : index
    %get3A_40 = arith.constant 0 : index
    %get3A_41 = vector.load %arg10[%get3A_39, %get3A_40] : memref<128x128xf32, #tpu.memory_space<vmem>>, vector<128x128xf32>
    %slice3A_42 = vector.extract_strided_slice %get3A_32 {offsets = [0, 0], sizes = [2000, 1], strides = [1, 1]} : vector<2000x16xf32> to vector<2000x1xf32>
    %max3A_43 = arith.constant 1.000000e+00 : f32
    %max3A_44 = vector.broadcast %max3A_43 : f32 to vector<2000x1xf32>
    %max3A_45 = arith.maximumf %slice3A_42, %max3A_44 : vector<2000x1xf32>
    %div3A_46 = arith.constant 1.000000e+00 : f32
    %div3A_47 = vector.broadcast %div3A_46 : f32 to vector<2000x1xf32>
    %div3A_48 = arith.divf %div3A_47, %max3A_45 : vector<2000x1xf32>
    %convert_element_type3A_49 = arith.extf %get3A_29 : vector<2000x128xbf16> to vector<2000x128xf32>
    %mul3A_50 = vector.broadcast %div3A_48 : vector<2000x1xf32> to vector<2000x128xf32>
    %mul3A_51 = arith.mulf %convert_element_type3A_49, %mul3A_50 : vector<2000x128xf32>
    %add3A_52 = vector.broadcast %get3A_35 : vector<1x128xf32> to vector<2000x128xf32>
    %add3A_53 = arith.addf %mul3A_51, %add3A_52 : vector<2000x128xf32>
    %dot_general3A_54 = arith.constant dense<0.000000e+00> : vector<2000x128xf32>
    %dot_general3A_55 = tpu.matmul %get3A_38, %get3A_41, %dot_general3A_54 {dimension_numbers = #tpu.dot_dimension_numbers<[1], [1], [0], [0], [0, 0, 1, 0], [], []>, precision = #tpu.contract_precision<fp32>, transpose_lhs_hint = false} : vector<2000x128xf32>, vector<128x128xf32>, vector<2000x128xf32> -> vector<2000x128xf32>
    %add3A_56 = arith.addf %add3A_53, %dot_general3A_55 : vector<2000x128xf32>
    %max3A_57 = arith.constant 0.000000e+00 : f32
    %max3A_58 = vector.broadcast %max3A_57 : f32 to vector<2000x128xf32>
    %max3A_59 = arith.maximumf %add3A_56, %max3A_58 : vector<2000x128xf32>
    %swap3A_60 = arith.constant 0 : index
    %swap3A_61 = arith.constant 0 : index
    %swap3A_62 = vector.load %arg12[%swap3A_60, %swap3A_61] : memref<2000x128xf32, #tpu.memory_space<vmem>>, vector<2000x128xf32>
    tpu.vector_store %arg12[%swap3A_60, %swap3A_61], %max3A_59 {strides = array<i32>} : memref<2000x128xf32, #tpu.memory_space<vmem>>, vector<2000x128xf32>,
    return
  }
  func.func @transform_0(%arg0: i32) -> (i32, i32) {
    %c0_i32 = arith.constant 0 : i32
    %c0_i32_0 = arith.constant 0 : i32
    return %arg0, %c0_i32 : i32, i32
  }
  func.func @transform_1(%arg0: i32) -> (i32, i32) {
    %c0_i32 = arith.constant 0 : i32
    %c0_i32_0 = arith.constant 0 : i32
    return %arg0, %c0_i32 : i32, i32
  }
  func.func @transform_2(%arg0: i32) -> (i32, i32) {
    %c0_i32 = arith.constant 0 : i32
    %c0_i32_0 = arith.constant 0 : i32
    %c0_i32_1 = arith.constant 0 : i32
    return %c0_i32, %c0_i32_0 : i32, i32
  }
  func.func @transform_3(%arg0: i32) -> (i32, i32) {
    %c0_i32 = arith.constant 0 : i32
    %c0_i32_0 = arith.constant 0 : i32
    return %arg0, %c0_i32 : i32, i32
  }
  func.func @transform_4(%arg0: i32) -> (i32, i32) {
    %c0_i32 = arith.constant 0 : i32
    %c0_i32_0 = arith.constant 0 : i32
    %c0_i32_1 = arith.constant 0 : i32
    return %c0_i32, %c0_i32_0 : i32, i32
  }
  func.func @transform_5(%arg0: i32) -> (i32, i32) {
    %c0_i32 = arith.constant 0 : i32
    %c0_i32_0 = arith.constant 0 : i32
    return %arg0, %c0_i32 : i32, i32
  }
  func.func @transform_6(%arg0: i32) -> (i32, i32) {
    %c0_i32 = arith.constant 0 : i32
    %c0_i32_0 = arith.constant 0 : i32
    return %arg0, %c0_i32 : i32, i32
  }
  func.func @transform_7(%arg0: i32) -> (i32, i32) {
    %c0_i32 = arith.constant 0 : i32
    %c0_i32_0 = arith.constant 0 : i32
    %c0_i32_1 = arith.constant 0 : i32
    return %c0_i32, %c0_i32_0 : i32, i32
  }
  func.func @transform_8(%arg0: i32) -> (i32, i32) {
    %c0_i32 = arith.constant 0 : i32
    %c0_i32_0 = arith.constant 0 : i32
    return %arg0, %c0_i32 : i32, i32
  }
  func.func @transform_9(%arg0: i32) -> (i32, i32) {
    %c0_i32 = arith.constant 0 : i32
    %c0_i32_0 = arith.constant 0 : i32
    %c0_i32_1 = arith.constant 0 : i32
    return %c0_i32, %c0_i32_0 : i32, i32
  }
  func.func @transform_10(%arg0: i32) -> (i32, i32) {
    %c0_i32 = arith.constant 0 : i32
    %c0_i32_0 = arith.constant 0 : i32
    return %arg0, %c0_i32 : i32, i32
  }
  func.func @transform_11(%arg0: i32) -> (i32, i32) {
    %c0_i32 = arith.constant 0 : i32
    %c0_i32_0 = arith.constant 0 : i32
    return %arg0, %c0_i32 : i32, i32
  }
}

</mosaic_0001>

<sc_bundles>
// kernel: kernel.10.cloned.1.call-start
scs
__scs_entry_jumppad:
0x0: {  	(pc) =	sbr.rel $0x88, $3  }
0x1: {  	(tag) =	ssettag $0x0;
	lr =	simm.s32 $0x1  }
0x2: {  	[smem:$0x3F91] =	sst lr;
	_ =	strace $0xD0000000  }
0x3: {  	_ = 	snop  }
0x4: {  	_ = 	snop  }
0x5: {  	_ = 	snop  }
0x6: {  	_ = 	snop  }
0x7: {  	_ = 	snop  }
__scs_overlays_trampoline_lowered:
0x8: {  	[smem:$0x3FA0] =	sst s0  }
0x9: {  	[smem:$0x3FA1] =	sst s1  }
0xa: {  	[smem:$0x3FA2] =	sst s2  }
0xb: {  	[smem:$0x3FA3] =	sst s3  }
0xc: {  	[smem:$0x3FA4] =	sst s4  }
0xd: {  	[smem:$0x3FA5] =	sst s5  }
0xe: {  	[smem:$0x3FA6] =	sst s6  }
0xf: {  	[smem:$0x3FA7] =	sst s7  }
0x10: {  	[smem:$0x3FA8] =	sst s8  }
0x11: {  	[smem:$0x3FA9] =	sst s9;
	s0 =	simm.s32 @!p0 $0x0  }
0x12: {  	s1 =	sld [smem:$0x3F8F];
	s0 =	simm.s32 @p0 $0x1  }
0x13: {  	[smem:$0x3FAA] =	sst s0;
	s0 =	simm.s32 @!p1 $0x0  }
0x14: {  	s2 =	sld [smem:$0x3F8E];
	s0 =	simm.s32 @p1 $0x1  }
0x15: {  	[smem:$0x3FAB] =	sst s0;
	s0 =	simm.s32 @!p2 $0x0  }
0x16: {  	s3 =	sld [smem:$0x3FDB];
	s0 =	simm.s32 @p2 $0x1  }
0x17: {  	s4 =	simm.s32 $0x1BF5;
	[smem:$0x3FAD] =	sst s0  }
0x18: {  	s0 =	sld [smem:$0x3F90];
	_ =	swait.ge [sflag:s4], $0x0  }
0x19: {  	s7 =	sld [smem:$0x3F91]  }
0x1a: {  	s8 =	sadd.s32 $0xFFFFE003, lr  }
0x1b: {  	s9 =	sadd.s32 $0xFFFFFEF7, lr;
	s5 =	simm.s32 $0xFFFFFFFF;
	p2 =	slt.u32 s8, $0xFFFFF086  }
0x1c: {  	p1 =	slt.u32 s9, $0xF7A;
	s5 =	simm.s32 @!p2 $0x0  }
0x1d: {  	s5 =	simm.s32 @p1 $0x1;
	p0 =	seq.s32 s7, s2  }
0x1e: {  	s7 =	smul.u32 @!p0 $0xF7A, s2;
	p2 =	seq.s32 @!p0 s5, $0x0  }
0x1f: {  	s9 =	smul.u32 $0xF7A, s1;
	s8 =	simm.s32 @!p0 $0x1BF5;
	p2 =	por !p2, p0  }
0x20: {  	[sflag:s8] =	ssyncset.s32 @!p0 $0xFFFFF086;
	s6 =	sadd.s32 @!p0 s3, s7;
	s7 =	simm.s32 @!p0 $0x108  }
0x21: {  	s3 =	sadd.s32 s3, s9;
	s6 =	sadd.s32 @!p0 $0x88, s6;
	s7 =	simm.s32 @p2 $0x1082  }
0x22: {  	[simem:s7], [sflag:s8] =	dma.local @!p0 [hbm:s6], $0xF7A  }
0x23: {  	s9 =	sor.u32 $0xD0000000, s2;
	s6 =	simm.s32 $0x108;
	_ =	swait.ge @!p0 [sflag:s8], $0x0  }
0x24: {  	s3 =	sadd.s32 $0x88, s3;
	s6 =	simm.s32 @!p1 $0x1082;
	[sflag:s4] =	ssyncset.s32 $0xFFFFF086  }
0x25: {  	[simem:s6], [sflag:s4] =	dma.local [hbm:s3], $0xF7A  }
0x26: {  	[smem:$0x3F91] =	sst s1;
	(tag) =	ssettag s2;
	_ =	strace s9  }
0x27: {  	s1 =	sld [smem:$0x3FA1]  }
0x28: {  	s2 =	sld [smem:$0x3FA2]  }
0x29: {  	s4 =	sld [smem:$0x3FA4]  }
0x2a: {  	p0 =	seq.s32 s5, $0x0;
	s5 =	sld [smem:$0x3FA5]  }
0x2b: {  	s6 =	sld [smem:$0x3FA6]  }
0x2c: {  	s7 =	sld [smem:$0x3FA7]  }
0x2d: {  	s3 =	simm.s32 $0x108;
	s8 =	sld [smem:$0x3FA8]  }
0x2e: {  	s3 =	simm.s32 @!p0 $0x1082;
	s9 =	sld [smem:$0x3FA9]  }
0x2f: {  	lr =	sadd.s32 s0, s3;
	s0 =	sld [smem:$0x3FA0]  }
0x30: {  	s3 =	sld [smem:$0x3FA3]  }
0x31: {  	[smem:$0x3FAC] =	sst s10  }
0x32: {  	s10 =	sld [smem:$0x3FAA];
	_ =	sdelay $0x3  }
0x33: {  	p0 =	seq.s32 s10, $0x1;
	s10 =	sld [smem:$0x3FAC];
	_ =	sdelay $0x3  }
0x34: {  	[smem:$0x3FAC] =	sst s10  }
0x35: {  	s10 =	sld [smem:$0x3FAB];
	_ =	sdelay $0x3  }
0x36: {  	p1 =	seq.s32 s10, $0x1;
	s10 =	sld [smem:$0x3FAC];
	_ =	sdelay $0x3  }
0x37: {  	[smem:$0x3FAC] =	sst s10  }
0x38: {  	s10 =	sld [smem:$0x3FAD]  }
0x39: {  	_ = 	snop;
	(pc) =	sbr.ind lr, $3  }
0x3a: {  	_ = 	snop  }
0x3b: {  	_ = 	snop  }
0x3c: {  	p2 =	seq.s32 s10, $0x1;
	s10 =	sld [smem:$0x3FAC]  }
0x3d: {  	_ =	shalt  }
0x3e: {  	_ =	shalt  }
0x3f: {  	_ =	shalt  }
0x40: {  	_ =	shalt  }
0x41: {  	_ =	shalt  }
0x42: {  	_ =	shalt  }
0x43: {  	_ =	shalt  }
0x44: {  	_ =	shalt  }
0x45: {  	_ =	shalt  }
0x46: {  	_ =	shalt  }
0x47: {  	_ =	shalt  }
0x48: {  	_ =	shalt  }
0x49: {  	_ =	shalt  }
0x4a: {  	_ =	shalt  }
0x4b: {  	_ =	shalt  }
0x4c: {  	_ =	shalt  }
0x4d: {  	_ =	shalt  }
0x4e: {  	_ =	shalt  }
0x4f: {  	_ =	shalt  }
0x50: {  	_ =	shalt  }
0x51: {  	_ =	shalt  }
0x52: {  	_ =	shalt  }
0x53: {  	_ =	shalt  }
0x54: {  	_ =	shalt  }
0x55: {  	_ =	shalt  }
0x56: {  	_ =	shalt  }
0x57: {  	_ =	shalt  }
0x58: {  	_ =	shalt  }
0x59: {  	_ =	shalt  }
0x5a: {  	_ =	shalt  }
0x5b: {  	_ =	shalt  }
0x5c: {  	_ =	shalt  }
0x5d: {  	_ =	shalt  }
0x5e: {  	_ =	shalt  }
0x5f: {  	_ =	shalt  }
0x60: {  	_ =	shalt  }
0x61: {  	_ =	shalt  }
0x62: {  	_ =	shalt  }
0x63: {  	_ =	shalt  }
0x64: {  	_ =	shalt  }
0x65: {  	_ =	shalt  }
0x66: {  	_ =	shalt  }
0x67: {  	_ =	shalt  }
0x68: {  	_ =	shalt  }
0x69: {  	_ =	shalt  }
0x6a: {  	_ =	shalt  }
0x6b: {  	_ =	shalt  }
0x6c: {  	_ =	shalt  }
0x6d: {  	_ =	shalt  }
0x6e: {  	_ =	shalt  }
0x6f: {  	_ =	shalt  }
0x70: {  	_ =	shalt  }
0x71: {  	_ =	shalt  }
0x72: {  	_ =	shalt  }
0x73: {  	_ =	shalt  }
0x74: {  	_ =	shalt  }
0x75: {  	_ =	shalt  }
0x76: {  	_ =	shalt  }
0x77: {  	_ =	shalt  }
0x78: {  	_ =	shalt  }
0x79: {  	_ =	shalt  }
0x7a: {  	_ =	shalt  }
0x7b: {  	_ =	shalt  }
0x7c: {  	_ =	shalt  }
0x7d: {  	_ =	shalt  }
0x7e: {  	_ =	shalt  }
0x7f: {  	_ =	shalt  }
0x80: {  	_ =	shalt  }
0x81: {  	_ =	shalt  }
0x82: {  	_ =	shalt  }
0x83: {  	_ =	shalt  }
0x84: {  	_ =	shalt  }
0x85: {  	_ =	shalt  }
0x86: {  	_ =	shalt  }
0x87: {  	_ =	shalt  }
.Lfunc_end0:
.L_simem_size_0:
called_computation.1_lowered:
.L_overlay_start_0:
0x88: {  	s2 =	sld [smem:$0x3FD9]  }
0x89: {  	s3 =	sld [smem:$0x3FFE];
	_ =	sdelay $0x1  }
0x8a: {  	s1 =	srdreg.scid  }
0x8b: {  	s0 =	sand.u32 $0x1, s1  }
0x8c: {  	s14 =	sshll.u32 s0, $0xA;
	s2 =	sadd.s32 s3, s2  }
0x8d: {  	s2 =	sadd.s32 s2, s14  }
0x8e: {  	[smem:$0x3FB8] =	sst s2  }
0x8f: {  	_ = 	snop  }
0x90: {  	s2 =	sld [smem:$0x3FD0];
	_ =	sdelay $0x2  }
0x91: {  	s15 =	simm.s32 $0xA;
	s4 =	simm.s32 $0x10  }
0x92: {  	[smem:s4], [sflag:s15] =	dma.local [hbm:s2], $0x1  }
0x93: {  	_ =	swait.eq [sflag:s15], $0x1  }
0x94: {  	[sflag:s15] =	ssyncset.done $0x0  }
0x95: {  	s16 =	sld [smem:$0x10];
	[sflag:s15] =	ssyncadd.s32 $0xFFFFFFFF  }
0x96: {  	s17 =	sld [smem:$0x11];
	(tm) =	ssettm $0x1  }
0x97: {  	s18 =	sld [smem:$0x3FFB];
	_ =	sdelay $0x3  }
0x98: {  	_ =	strace s18  }
0x99: {  	s4 =	sld [smem:$0x3FFC];
	_ =	sdelay $0x3  }
0x9a: {  	_ =	strace s4  }
0x9b: {  	s4 =	sld [smem:$0x3FFD];
	_ =	sdelay $0x3  }
0x9c: {  	_ =	strace s4  }
0x9d: {  	_ =	strace $0x8FFFFFFF  }
0x9e: {  	s19 =	sld [smem:$0x3FDB];
	_ =	sdelay $0x1  }
0x9f: {  	s5 =	simm.s32 $_scs_section_size  }
0xa0: {  	s6 =	simm.s32 $_size__tile_overlayer_lowered;
	s7 =	simm.s32 $_tile_overlayer_lowered  }
0xa1: {  	s22 =	simm.s32 $0x1BFF;
	s21 =	sshll.u32 s7, $0x1;
	s4 =	sadd.s32 s5, s19  }
0xa2: {  	s8 =	simm.s32 $0x0;
	s20 =	sshll.u32 s6, $0x1;
	s6 =	sadd.s32 s21, s4  }
0xa3: {  	[timem:s8], [sflag:s22] =	dma.local [hbm:s6], s20  }
0xa4: {  	_ =	swait.ge [sflag:s22], s20  }
0xa5: {  	s5 =	ssub.s32 $0x0, s20;
	[sflag:s22] =	ssyncset.done $0x0  }
0xa6: {  	[sflag:s22] =	ssyncadd.s32 s5;
	_ =	sdelay $0x1  }
0xa7: {  	s23 =	simm.s32 $0x1B8B  }
0xa8: {  	_ =	swait.ge [sflag:s23], $0x1  }
0xa9: {  	[sflag:s23] =	ssyncset.done $0x0  }
0xaa: {  	s25 =	simm.s32 $0x1B8E;
	s24 =	sld [smem:$0x3FFE];
	[sflag:s23] =	ssyncadd.s32 $0xFFFFFFFF  }
0xab: {  	s26 =	simm.s32 $execute0_lowered;
	[smem:$0x3FD2] =	sst s25  }
0xac: {  	s6 =	sshll.u32 s26, $0x1;
	_ =	strace $0x80000049;
	[dreg:$0x1] =	wrdreg $0xFFFFFFFF  }
0xad: {  	s28 =	simm.s32 $_size_execute0_lowered;
	s4 =	sadd.s32 s4, s6;
	[dreg:$0x0] =	wrdreg $0x0  }
0xae: {  	s6 =	sshll.u32 s28, $0x1;
	[dreg:$0x2] =	wrdreg s4  }
0xaf: {  	[dreg:$0x3] =	wrdreg s6  }
0xb0: {  	[dreg:$0x4] =	wrdreg $0xC0  }
0xb1: {  	_ =	task [dreg:s8], $0x5FFFF  }
0xb2: {  	[dreg:$0x1] =	wrdreg $0xFFFFFFFF  }
0xb3: {  	[dreg:$0x0] =	wrdreg $0x60  }
0xb4: {  	[dreg:$0x2] =	wrdreg s24  }
0xb5: {  	[dreg:$0x3] =	wrdreg s16  }
0xb6: {  	[dreg:$0x4] =	wrdreg s17  }
0xb7: {  	[dreg:$0x5] =	wrdreg $0xC4400  }
0xb8: {  	[dreg:$0x6] =	wrdreg $0x9  }
0xb9: {  	_ =	task.clear_ibuf [dreg:s8], $0x7FFFF;
	_ =	strace $0x90000049  }
0xba: {  	s29 =	simm.s32 $0x9;
	_ =	strace $0x8000004B  }
0xbb: {  	_ =	swait.ge [sflag:s29], $0x1  }
0xbc: {  	[sflag:s29] =	ssyncadd.s32 $0xFFFFFFFF  }
0xbd: {  	_ =	strace $0x9000004B  }
0xbe: {  	_ =	sfence  }
0xbf: {  	s30 =	sld [smem:$0x0];
	_ =	sdelay $0x2  }
0xc0: {  	s31 =	sshll.u32 s1, $0xD;
	s1 =	sshrl.u32 s1, $0x2  }
0xc1: {  	s3 =	sand.u32 $0x4000, s31;
	s1 =	sadd.s32 s1, s30  }
0xc2: {  	s0 =	sor.u32 s3, s0;
	s1 =	sshll.u32 s1, $0x11  }
0xc3: {  	s0 =	sor.u32 s1, s0  }
0xc4: {  	s0 =	sadd.s32 $0x8F2B, s0  }
0xc5: {  	[sflag:s0] =	ssyncadd.remote.s32 $0x1  }
0xc6: {  	_ =	sfence.sel $0xFFFF  }
0xc7: {  	[dreg:$0x0] =	wrdreg $0xFFFFFFFF;
	(pc) =	sbr.abs _section_cstart, $3  }
0xc8: {  	[dreg:$0x1] =	wrdreg $0xFFFFFFFF  }
0xc9: {  	_ =	task.clear_ibuf [dreg:s8], $0x2FFFF;
	_ =	strace $0x9FFFFFFF  }
0xca: {  	(tm) =	ssettm $0x7FFFFFFF  }
0xcb: {  	_ =	shalt  }
tec
execute0_lowered:
.L_overlay_start_1:
0x0: {  	(tag) =	ssettag $0x1  }
0x1: {  	s8 =	rddreg [dreg:$0x0]  }
0x2: {  	s2 =	rddreg [dreg:$0x2]  }
0x3: {  	s4 =	rddreg [dreg:$0x3];
	s5 =	simm.s32 $0x0;
	s0 =	stileid.u32  }
0x4: {  	s6 =	srdreg.scid;
	s16 =	simm.s32 $0x3;
	s17 =	simm.s32 $0x4E20  }
0x5: {  	s20 =	simm.s32 $0x50;
	s21 =	simm.s32 $0x9C40;
	s22 =	simm.s32 $0xB040  }
0x6: {  	s23 =	simm.s32 $0x1;
	s24 =	simm.s32 $0x2;
	s25 =	simm.s32 $0x4DD0  }
0x7: {  	s26 =	simm.s32 $0x9BA0;
	s28 =	simm.s32 $0x9BF0;
	[smem:$0x7FF] =	sst s5  }
0x8: {  	s9 =	smul.u32 $0x9C4, s0;
	s10 =	sand.u32 $0x1, s6;
	s6 =	sadd.s32 $0x2C200, s8  }
0x9: {  	s7 =	sadd.s32 $0x3FC00, s8;
	s12 =	smul.u32 $0x14000, s0;
	s15 =	sshll.u32 s0, $0x6  }
0xa: {  	_ =	strace $0x8000004A;
	s11 =	ssub.s32 $0x2, s10;
	p0 =	seq.s32 s10, $0x1  }
.Ltmp0:
0xb: {  	s18 =	sor.u32 $0x1C03, s15;
	s13 =	sadd.s32 s9, s8;
	(pc) =	sbr.rel .LBB2_1-.Ltmp0, $4  }
0xc: {  	s30 =	sshrl.u32 s11, $0x1;
	s8 =	sadd.s32 $0x3600, s8;
	s31 =	sshrl.u32 s12, $0x1  }
0xd: {  	s14 =	ssub.s32 s11, s30;
	s9 =	sadd.s32 $0xE800, s13;
	s10 =	sadd.s32 $0x4A00, s13  }
0xe: {  	s19 =	sadd.s32 s31, s4;
	s11 =	sshrl.u32 s12, $0x4;
	s12 =	sadd.s32 $0x22400, s13  }
0xf: {  	s13 =	sadd.s32 $0x18600, s13;
	s14 =	smax.u32 s14, $0x1;
	s19 =	sshrl.u32 s19, $0x3  }
.LBB2_7:
0x10: {  	s0 =	sadd.s32 $0x50, s29;
	[sflag:s16] =	ssyncadd.s32 $0xFFFFEC00  }
0x11: {  	[tilespmem:s22], [sflag:$0x2] =	stream.indirect.gather [hbm4b:s7+s20], $0x40, s0, s20, $0xb8;
	[tilespmem:$0x16440] =	vst v63  }
0x12: {  	_ =	swait.ge [sflag:s23], $0x1400  }
0x13: {  	[sflag:s23] =	ssyncset.done $0x0  }
0x14: {  	s1 =	sadd.s32 $0x4E20, s29;
	[sflag:s23] =	ssyncadd.s32 $0xFFFFEC00  }
0x15: {  	[spmem:s4] =	stream.indirect.scatter.add.bf16 [tilespmem:s21], [sflag:$0x3], $0x40, s1, s20, $0xb8;
	[tilespmem:$0x16440] =	vst v63  }
0x16: {  	_ =	swait.ge [sflag:s16], $0x1400  }
0x17: {  	[sflag:s16] =	ssyncset.done $0x0  }
0x18: {  	s3 =	sadd.s32 $0xA0, s29;
	[sflag:s16] =	ssyncadd.s32 $0xFFFFEC00  }
0x19: {  	[tilespmem:s21], [sflag:$0x1] =	stream.indirect.gather [hbm4b:s7+s20], $0x40, s3, s20, $0xb8;
	[tilespmem:$0x16440] =	vst v63  }
0x1a: {  	_ =	swait.ge [sflag:s24], $0x1400  }
0x1b: {  	[sflag:s24] =	ssyncset.done $0x0  }
0x1c: {  	s31 =	sadd.s32 $0x4E70, s29;
	[sflag:s24] =	ssyncadd.s32 $0xFFFFEC00  }
0x1d: {  	[spmem:s4] =	stream.indirect.scatter.add.bf16 [tilespmem:s22], [sflag:$0x3], $0x40, s31, s20, $0xb8;
	[tilespmem:$0x16440] =	vst v63  }
0x1e: {  	_ =	swait.ge [sflag:s16], $0x1400  }
0x1f: {  	[sflag:s16] =	ssyncset.done $0x0  }
0x20: {  	s30 =	smov.u32 s2;
	s29 =	smov.u32 s18;
	[sflag:s16] =	ssyncadd.s32 $0xFFFFEC00  }
0x21: {  	[tilespmem:s22], [sflag:$0x2] =	stream.indirect.gather [hbm4b:s7+s20], $0x40, s25, s20, $0xb8;
	[tilespmem:$0x16440] =	vst v63  }
.LBB2_8:
0x22: {  	_ =	swait.ge [sflag:s23], $0x1400  }
0x23: {  	[sflag:s23] =	ssyncset.done $0x0  }
0x24: {  	[sflag:s23] =	ssyncadd.s32 $0xFFFFEC00  }
0x25: {  	[spmem:s4] =	stream.indirect.scatter.add.bf16 [tilespmem:s21], [sflag:$0x3], $0x40, s26, s20, $0xb8;
	[tilespmem:$0x16440] =	vst v63  }
0x26: {  	_ =	swait.ge [sflag:s16], $0x1400  }
0x27: {  	[sflag:s16] =	ssyncset.done $0x0  }
0x28: {  	[sflag:s16] =	ssyncadd.s32 $0xFFFFEC00  }
0x29: {  	_ =	swait.ge [sflag:s24], $0x1400  }
0x2a: {  	[sflag:s24] =	ssyncset.done $0x0  }
0x2b: {  	[sflag:s24] =	ssyncadd.s32 $0xFFFFEC00  }
0x2c: {  	[spmem:s4] =	stream.indirect.scatter.add.bf16 [tilespmem:s22], [sflag:$0x3], $0x40, s28, s20, $0xb8;
	[tilespmem:$0x16440] =	vst v63  }
0x2d: {  	_ =	swait.ge [sflag:s16], $0x1400  }
0x2e: {  	s5 =	sadd.s32 $0x1, s5;
	[sflag:s16] =	ssyncset.done $0x0  }
0x2f: {  	p1 =	sne.s32 s5, s14;
	[sflag:s16] =	ssyncadd.s32 $0xFFFFEC00  }
.Ltmp1:
0x30: {  	s0 =	sadd.s32 s30, s11;
	[bflag:$0x0] =	sbarrier.arrive $0xFFFF;
	(pc) =	sbr.rel @!p1 .LBB2_9-.Ltmp1, $4  }
0x31: {  	[hbm:s0], [sflag:s29] =	dma.local [spmem:s19], $0x1400  }
0x32: {  	_ =	swait.ge [sflag:s16], $0x1400  }
0x33: {  	[sflag:s16] =	ssyncset.done $0x0  }
0x34: {  	[sflag:s16] =	ssyncadd.s32 $0xFFFFEC00  }
.LBB2_1:
.Ltmp2:
0x35: {  	(pc) =	sbr.rel @!p0 .LBB2_2-.Ltmp2, $1  }
0x36: {  	_ =	sdelay $0x3  }
0x37: {  	s0 =	simm.s32 $0x0  }
0x38: {  	[tilespmem:s0], [sflag:$0x3] =	stream.linear.gather [hbm4b:s12+s0], $0x4E20, $0x38;
	[tilespmem:$0x16440] =	vst v63  }
0x39: {  	_ =	swait.ge [sflag:s16], $0x4E20  }
0x3a: {  	[sflag:s16] =	ssyncset.done $0x0  }
0x3b: {  	[sflag:s16] =	ssyncadd.s32 $0xFFFFB1E0  }
0x3c: {  	[tilespmem:s17], [sflag:$0x3] =	stream.linear.gather [hbm4b:s13+s0], $0x4E20, $0x38;
	[tilespmem:$0x16440] =	vst v63  }
0x3d: {  	_ =	swait.ge [sflag:s16], $0x4E20  }
0x3e: {  	[sflag:s16] =	ssyncset.done $0x0  }
0x3f: {  	[sflag:s16] =	ssyncadd.s32 $0xFFFFB1E0  }
0x40: {  	[spmem:s19], [sflag:s18] =	dma.local [hbm:s8], $0x1400  }
0x41: {  	_ =	swait.ge [sflag:s16], $0x1400  }
0x42: {  	[sflag:s16] =	ssyncset.done $0x0  }
0x43: {  	[sflag:s16] =	ssyncadd.s32 $0xFFFFEC00  }
0x44: {  	[bflag:$0x0] =	sbarrier.arrive $0xFFFF  }
0x45: {  	[tilespmem:s21], [sflag:$0x1] =	stream.indirect.gather [hbm4b:s7+s20], $0x40, s0, s20, $0xb8;
	[tilespmem:$0x16440] =	vst v63  }
0x46: {  	s31 =	simm.s32 $0x50  }
0x47: {  	[tilespmem:s22], [sflag:$0x2] =	stream.indirect.gather [hbm4b:s7+s20], $0x40, s31, s20, $0xb8;
	[tilespmem:$0x16440] =	vst v63  }
0x48: {  	_ =	swait.ge [sflag:s23], $0x1400  }
0x49: {  	[sflag:s23] =	ssyncset.done $0x0  }
0x4a: {  	s1 =	simm.s32 $0x4E20;
	[sflag:s23] =	ssyncadd.s32 $0xFFFFEC00  }
0x4b: {  	[spmem:s4] =	stream.indirect.scatter.add.bf16 [tilespmem:s21], [sflag:$0x3], $0x40, s1, s20, $0xb8;
	[tilespmem:$0x16440] =	vst v63  }
0x4c: {  	_ =	swait.ge [sflag:s16], $0x1400  }
0x4d: {  	[sflag:s16] =	ssyncset.done $0x0  }
0x4e: {  	s3 =	simm.s32 $0xA0;
	[sflag:s16] =	ssyncadd.s32 $0xFFFFEC00  }
0x4f: {  	[tilespmem:s21], [sflag:$0x1] =	stream.indirect.gather [hbm4b:s7+s20], $0x40, s3, s20, $0xb8;
	[tilespmem:$0x16440] =	vst v63  }
0x50: {  	_ =	swait.ge [sflag:s24], $0x1400  }
0x51: {  	[sflag:s24] =	ssyncset.done $0x0  }
0x52: {  	s31 =	simm.s32 $0x4E70;
	[sflag:s24] =	ssyncadd.s32 $0xFFFFEC00  }
0x53: {  	[spmem:s4] =	stream.indirect.scatter.add.bf16 [tilespmem:s22], [sflag:$0x3], $0x40, s31, s20, $0xb8;
	[tilespmem:$0x16440] =	vst v63  }
0x54: {  	_ =	swait.ge [sflag:s16], $0x1400  }
0x55: {  	s30 =	simm.s32 $0x500;
	s29 =	simm.s32 $0xA0;
	[sflag:s16] =	ssyncset.done $0x0  }
.LBB2_6:
0x56: {  	s0 =	sadd.s32 $0x50, s29  }
0x57: {  	[sflag:s16] =	ssyncadd.s32 $0xFFFFEC00;
	s1 =	smov.u32 s30;
	s3 =	sadd.s32 $0x280, s30  }
0x58: {  	[tilespmem:s22], [sflag:$0x2] =	stream.indirect.gather [hbm4b:s7+s20], $0x40, s0, s20, $0xb8;
	[tilespmem:$0x16440] =	vst v63  }
0x59: {  	p1 =	sne.s32 s30, $0x13380;
	_ =	swait.ge [sflag:s23], $0x1400  }
0x5a: {  	[sflag:s23] =	ssyncset.done $0x0  }
0x5b: {  	s0 =	sadd.s32 $0x4E20, s29;
	[sflag:s23] =	ssyncadd.s32 $0xFFFFEC00  }
0x5c: {  	[spmem:s4] =	stream.indirect.scatter.add.bf16 [tilespmem:s21], [sflag:$0x3], $0x40, s0, s20, $0xb8;
	[tilespmem:$0x16440] =	vst v63  }
0x5d: {  	_ =	swait.ge [sflag:s16], $0x1400  }
0x5e: {  	[sflag:s16] =	ssyncset.done $0x0  }
0x5f: {  	s0 =	sadd.s32 $0xA0, s29;
	[sflag:s16] =	ssyncadd.s32 $0xFFFFEC00  }
0x60: {  	[tilespmem:s21], [sflag:$0x1] =	stream.indirect.gather [hbm4b:s7+s20], $0x40, s0, s20, $0xb8;
	[tilespmem:$0x16440] =	vst v63  }
0x61: {  	_ =	swait.ge [sflag:s24], $0x1400  }
.Ltmp3:
0x62: {  	[sflag:s24] =	ssyncset.done $0x0;
	(pc) =	sbr.rel @p1 .LBB2_6-.Ltmp3, $4  }
0x63: {  	s0 =	sadd.s32 $0x4E70, s29;
	[sflag:s24] =	ssyncadd.s32 $0xFFFFEC00  }
0x64: {  	[spmem:s4] =	stream.indirect.scatter.add.bf16 [tilespmem:s22], [sflag:$0x3], $0x40, s0, s20, $0xb8;
	[tilespmem:$0x16440] =	vst v63  }
0x65: {  	_ =	swait.ge [sflag:s16], $0x1400  }
0x66: {  	s30 =	smov.u32 s3;
	s29 =	sshra.s32 s1, $0x2;
	[sflag:s16] =	ssyncset.done $0x0  }
.Ltmp4:
0x67: {  	_ = 	snop;
	(pc) =	sbr.rel .LBB2_7-.Ltmp4, $1  }
0x68: {  	_ =	sdelay $0x3  }
.LBB2_2:
0x69: {  	s30 =	simm.s32 $0x0  }
0x6a: {  	[tilespmem:s30], [sflag:$0x3] =	stream.linear.gather [hbm4b:s9+s30], $0x4E20, $0x38;
	[tilespmem:$0x16440] =	vst v63  }
0x6b: {  	_ =	swait.ge [sflag:s16], $0x4E20  }
0x6c: {  	[sflag:s16] =	ssyncset.done $0x0  }
0x6d: {  	[sflag:s16] =	ssyncadd.s32 $0xFFFFB1E0  }
0x6e: {  	[tilespmem:s17], [sflag:$0x3] =	stream.linear.gather [hbm4b:s10+s30], $0x4E20, $0x38;
	[tilespmem:$0x16440] =	vst v63  }
0x6f: {  	_ =	swait.ge [sflag:s16], $0x4E20  }
0x70: {  	[sflag:s16] =	ssyncset.done $0x0  }
0x71: {  	s29 =	sor.u32 $0x1C03, s15;
	[sflag:s16] =	ssyncadd.s32 $0xFFFFB1E0  }
0x72: {  	[spmem:s19], [sflag:s29] =	dma.local [hbm:s8], $0x1400  }
0x73: {  	_ =	swait.ge [sflag:s16], $0x1400  }
0x74: {  	[sflag:s16] =	ssyncset.done $0x0  }
0x75: {  	[sflag:s16] =	ssyncadd.s32 $0xFFFFEC00  }
0x76: {  	[bflag:$0x0] =	sbarrier.arrive $0xFFFF  }
0x77: {  	[tilespmem:s21], [sflag:$0x1] =	stream.indirect.gather [hbm4b:s6+s20], $0x40, s30, s20, $0xb8;
	[tilespmem:$0x16440] =	vst v63  }
0x78: {  	s30 =	simm.s32 $0x50  }
0x79: {  	[tilespmem:s22], [sflag:$0x2] =	stream.indirect.gather [hbm4b:s6+s20], $0x40, s30, s20, $0xb8;
	[tilespmem:$0x16440] =	vst v63  }
0x7a: {  	_ =	swait.ge [sflag:s23], $0x1400  }
0x7b: {  	[sflag:s23] =	ssyncset.done $0x0  }
0x7c: {  	s30 =	simm.s32 $0x4E20;
	[sflag:s23] =	ssyncadd.s32 $0xFFFFEC00  }
0x7d: {  	[spmem:s4] =	stream.indirect.scatter.add.bf16 [tilespmem:s21], [sflag:$0x3], $0x40, s30, s20, $0xb8;
	[tilespmem:$0x16440] =	vst v63  }
0x7e: {  	_ =	swait.ge [sflag:s16], $0x1400  }
0x7f: {  	[sflag:s16] =	ssyncset.done $0x0  }
0x80: {  	s30 =	simm.s32 $0xA0;
	[sflag:s16] =	ssyncadd.s32 $0xFFFFEC00  }
0x81: {  	[tilespmem:s21], [sflag:$0x1] =	stream.indirect.gather [hbm4b:s6+s20], $0x40, s30, s20, $0xb8;
	[tilespmem:$0x16440] =	vst v63  }
0x82: {  	_ =	swait.ge [sflag:s24], $0x1400  }
0x83: {  	[sflag:s24] =	ssyncset.done $0x0  }
0x84: {  	s30 =	simm.s32 $0x4E70;
	[sflag:s24] =	ssyncadd.s32 $0xFFFFEC00  }
0x85: {  	[spmem:s4] =	stream.indirect.scatter.add.bf16 [tilespmem:s22], [sflag:$0x3], $0x40, s30, s20, $0xb8;
	[tilespmem:$0x16440] =	vst v63  }
0x86: {  	_ =	swait.ge [sflag:s16], $0x1400  }
0x87: {  	s31 =	simm.s32 $0x500;
	s30 =	simm.s32 $0xA0;
	[sflag:s16] =	ssyncset.done $0x0  }
.LBB2_3:
0x88: {  	s0 =	sadd.s32 $0x50, s30  }
0x89: {  	[sflag:s16] =	ssyncadd.s32 $0xFFFFEC00;
	s3 =	smov.u32 s31;
	s1 =	sadd.s32 $0x280, s31  }
0x8a: {  	[tilespmem:s22], [sflag:$0x2] =	stream.indirect.gather [hbm4b:s6+s20], $0x40, s0, s20, $0xb8;
	[tilespmem:$0x16440] =	vst v63  }
0x8b: {  	p1 =	sne.s32 s31, $0x13380;
	_ =	swait.ge [sflag:s23], $0x1400  }
0x8c: {  	[sflag:s23] =	ssyncset.done $0x0  }
0x8d: {  	s0 =	sadd.s32 $0x4E20, s30;
	[sflag:s23] =	ssyncadd.s32 $0xFFFFEC00  }
0x8e: {  	[spmem:s4] =	stream.indirect.scatter.add.bf16 [tilespmem:s21], [sflag:$0x3], $0x40, s0, s20, $0xb8;
	[tilespmem:$0x16440] =	vst v63  }
0x8f: {  	_ =	swait.ge [sflag:s16], $0x1400  }
0x90: {  	[sflag:s16] =	ssyncset.done $0x0  }
0x91: {  	s0 =	sadd.s32 $0xA0, s30;
	[sflag:s16] =	ssyncadd.s32 $0xFFFFEC00  }
0x92: {  	[tilespmem:s21], [sflag:$0x1] =	stream.indirect.gather [hbm4b:s6+s20], $0x40, s0, s20, $0xb8;
	[tilespmem:$0x16440] =	vst v63  }
0x93: {  	_ =	swait.ge [sflag:s24], $0x1400  }
.Ltmp5:
0x94: {  	[sflag:s24] =	ssyncset.done $0x0;
	(pc) =	sbr.rel @p1 .LBB2_3-.Ltmp5, $4  }
0x95: {  	s0 =	sadd.s32 $0x4E70, s30;
	[sflag:s24] =	ssyncadd.s32 $0xFFFFEC00  }
0x96: {  	[spmem:s4] =	stream.indirect.scatter.add.bf16 [tilespmem:s22], [sflag:$0x3], $0x40, s0, s20, $0xb8;
	[tilespmem:$0x16440] =	vst v63  }
0x97: {  	_ =	swait.ge [sflag:s16], $0x1400  }
0x98: {  	s31 =	smov.u32 s1;
	s30 =	sshra.s32 s3, $0x2;
	[sflag:s16] =	ssyncset.done $0x0  }
0x99: {  	s0 =	sadd.s32 $0x50, s30;
	[sflag:s16] =	ssyncadd.s32 $0xFFFFEC00  }
0x9a: {  	[tilespmem:s22], [sflag:$0x2] =	stream.indirect.gather [hbm4b:s6+s20], $0x40, s0, s20, $0xb8;
	[tilespmem:$0x16440] =	vst v63  }
0x9b: {  	_ =	swait.ge [sflag:s23], $0x1400  }
0x9c: {  	[sflag:s23] =	ssyncset.done $0x0  }
0x9d: {  	s1 =	sadd.s32 $0x4E20, s30;
	[sflag:s23] =	ssyncadd.s32 $0xFFFFEC00  }
0x9e: {  	[spmem:s4] =	stream.indirect.scatter.add.bf16 [tilespmem:s21], [sflag:$0x3], $0x40, s1, s20, $0xb8;
	[tilespmem:$0x16440] =	vst v63  }
0x9f: {  	_ =	swait.ge [sflag:s16], $0x1400  }
0xa0: {  	[sflag:s16] =	ssyncset.done $0x0  }
0xa1: {  	s3 =	sadd.s32 $0xA0, s30;
	[sflag:s16] =	ssyncadd.s32 $0xFFFFEC00  }
0xa2: {  	[tilespmem:s21], [sflag:$0x1] =	stream.indirect.gather [hbm4b:s6+s20], $0x40, s3, s20, $0xb8;
	[tilespmem:$0x16440] =	vst v63  }
0xa3: {  	_ =	swait.ge [sflag:s24], $0x1400  }
0xa4: {  	[sflag:s24] =	ssyncset.done $0x0  }
0xa5: {  	s31 =	sadd.s32 $0x4E70, s30;
	[sflag:s24] =	ssyncadd.s32 $0xFFFFEC00  }
0xa6: {  	[spmem:s4] =	stream.indirect.scatter.add.bf16 [tilespmem:s22], [sflag:$0x3], $0x40, s31, s20, $0xb8;
	[tilespmem:$0x16440] =	vst v63  }
.Ltmp6:
0xa7: {  	_ =	swait.ge [sflag:s16], $0x1400;
	(pc) =	sbr.rel .LBB2_8-.Ltmp6, $4  }
0xa8: {  	[sflag:s16] =	ssyncset.done $0x0  }
0xa9: {  	[sflag:s16] =	ssyncadd.s32 $0xFFFFEC00  }
0xaa: {  	[tilespmem:s22], [sflag:$0x2] =	stream.indirect.gather [hbm4b:s6+s20], $0x40, s25, s20, $0xb8;
	[tilespmem:$0x16440] =	vst v63  }
0xab: {  	s30 =	rddreg [dreg:$0x1]  }
.LBB2_9:
0xac: {  	_ =	sfence.sel $0x180000  }
0xad: {  	[bflag:$0x0] =	sbarrier.arrive $0xFFFF  }
0xae: {  	_ =	strace $0x9000004A  }
0xaf: {  	s0 =	stileid.u32;
	[bflag:$0x2] =	sbarrier.arrive $0xFFFF  }
0xb0: {  	p0 =	sne.s32 s0, $0x0;
	s0 =	rddreg [dreg:$0x4]  }
0xb1: {  	s0 =	sadd.s32 @!p0 $0x100000, s0  }
0xb2: {  	[sflag:s0] =	ssyncadd.tile.s32 @!p0 $0x1;
	_ =	shalt  }
.Lfunc_end2:
_tile_overlayer_lowered:
.L_overlay_start_2:
0xb3: {  	(tag) =	ssettag $0x2  }
0xb4: {  	s0 =	rddreg [dreg:$0x0];
	s2 =	stileid.u32  }
0xb5: {  	s1 =	rddreg [dreg:$0x1];
	p0 =	sne.s32 s2, $0x0  }
0xb6: {  	s3 =	rddreg [dreg:$0x2];
	[bflag:$0x3] =	sbarrier.arrive $0xFFFF;
	s2 =	simm.s32 @!p0 $0x1C03  }
0xb7: {  	[timem:s3], [sflag:s2] =	dma.local @!p0 [hbm:s0], s1  }
0xb8: {  	s0 =	simm.s32 @!p0 $0x3  }
0xb9: {  	_ =	swait.ge @!p0 [sflag:s0], s1  }
0xba: {  	s1 =	ssub.s32 @!p0 $0x0, s1;
	[sflag:s0] =	ssyncset.done @!p0 $0x0  }
0xbb: {  	[sflag:s0] =	ssyncadd.s32 @!p0 s1  }
0xbc: {  	[bflag:$0x3] =	sbarrier.arrive $0xFFFF  }
0xbd: {  	_ =	shalt  }

// kernel: kernel.7.cloned.1.call-start
scs
__scs_entry_jumppad:
0x0: {  	(pc) =	sbr.rel $0x88, $3  }
0x1: {  	(tag) =	ssettag $0x0;
	lr =	simm.s32 $0x1  }
0x2: {  	[smem:$0x3F91] =	sst lr;
	_ =	strace $0xD0000000  }
0x3: {  	_ = 	snop  }
0x4: {  	_ = 	snop  }
0x5: {  	_ = 	snop  }
0x6: {  	_ = 	snop  }
0x7: {  	_ = 	snop  }
__scs_overlays_trampoline_lowered:
0x8: {  	[smem:$0x3FA0] =	sst s0  }
0x9: {  	[smem:$0x3FA1] =	sst s1  }
0xa: {  	[smem:$0x3FA2] =	sst s2  }
0xb: {  	[smem:$0x3FA3] =	sst s3  }
0xc: {  	[smem:$0x3FA4] =	sst s4  }
0xd: {  	[smem:$0x3FA5] =	sst s5  }
0xe: {  	[smem:$0x3FA6] =	sst s6  }
0xf: {  	[smem:$0x3FA7] =	sst s7  }
0x10: {  	[smem:$0x3FA8] =	sst s8  }
0x11: {  	[smem:$0x3FA9] =	sst s9;
	s0 =	simm.s32 @!p0 $0x0  }
0x12: {  	s1 =	sld [smem:$0x3F8F];
	s0 =	simm.s32 @p0 $0x1  }
0x13: {  	[smem:$0x3FAA] =	sst s0;
	s0 =	simm.s32 @!p1 $0x0  }
0x14: {  	s2 =	sld [smem:$0x3F8E];
	s0 =	simm.s32 @p1 $0x1  }
0x15: {  	[smem:$0x3FAB] =	sst s0;
	s0 =	simm.s32 @!p2 $0x0  }
0x16: {  	s3 =	sld [smem:$0x3FDB];
	s0 =	simm.s32 @p2 $0x1  }
0x17: {  	s4 =	simm.s32 $0x1BF5;
	[smem:$0x3FAD] =	sst s0  }
0x18: {  	s0 =	sld [smem:$0x3F90];
	_ =	swait.ge [sflag:s4], $0x0  }
0x19: {  	s7 =	sld [smem:$0x3F91]  }
0x1a: {  	s8 =	sadd.s32 $0xFFFFE003, lr  }
0x1b: {  	s9 =	sadd.s32 $0xFFFFFEF7, lr;
	s5 =	simm.s32 $0xFFFFFFFF;
	p2 =	slt.u32 s8, $0xFFFFF086  }
0x1c: {  	p1 =	slt.u32 s9, $0xF7A;
	s5 =	simm.s32 @!p2 $0x0  }
0x1d: {  	s5 =	simm.s32 @p1 $0x1;
	p0 =	seq.s32 s7, s2  }
0x1e: {  	s7 =	smul.u32 @!p0 $0xF7A, s2;
	p2 =	seq.s32 @!p0 s5, $0x0  }
0x1f: {  	s9 =	smul.u32 $0xF7A, s1;
	s8 =	simm.s32 @!p0 $0x1BF5;
	p2 =	por !p2, p0  }
0x20: {  	[sflag:s8] =	ssyncset.s32 @!p0 $0xFFFFF086;
	s6 =	sadd.s32 @!p0 s3, s7;
	s7 =	simm.s32 @!p0 $0x108  }
0x21: {  	s3 =	sadd.s32 s3, s9;
	s6 =	sadd.s32 @!p0 $0x88, s6;
	s7 =	simm.s32 @p2 $0x1082  }
0x22: {  	[simem:s7], [sflag:s8] =	dma.local @!p0 [hbm:s6], $0xF7A  }
0x23: {  	s9 =	sor.u32 $0xD0000000, s2;
	s6 =	simm.s32 $0x108;
	_ =	swait.ge @!p0 [sflag:s8], $0x0  }
0x24: {  	s3 =	sadd.s32 $0x88, s3;
	s6 =	simm.s32 @!p1 $0x1082;
	[sflag:s4] =	ssyncset.s32 $0xFFFFF086  }
0x25: {  	[simem:s6], [sflag:s4] =	dma.local [hbm:s3], $0xF7A  }
0x26: {  	[smem:$0x3F91] =	sst s1;
	(tag) =	ssettag s2;
	_ =	strace s9  }
0x27: {  	s1 =	sld [smem:$0x3FA1]  }
0x28: {  	s2 =	sld [smem:$0x3FA2]  }
0x29: {  	s4 =	sld [smem:$0x3FA4]  }
0x2a: {  	p0 =	seq.s32 s5, $0x0;
	s5 =	sld [smem:$0x3FA5]  }
0x2b: {  	s6 =	sld [smem:$0x3FA6]  }
0x2c: {  	s7 =	sld [smem:$0x3FA7]  }
0x2d: {  	s3 =	simm.s32 $0x108;
	s8 =	sld [smem:$0x3FA8]  }
0x2e: {  	s3 =	simm.s32 @!p0 $0x1082;
	s9 =	sld [smem:$0x3FA9]  }
0x2f: {  	lr =	sadd.s32 s0, s3;
	s0 =	sld [smem:$0x3FA0]  }
0x30: {  	s3 =	sld [smem:$0x3FA3]  }
0x31: {  	[smem:$0x3FAC] =	sst s10  }
0x32: {  	s10 =	sld [smem:$0x3FAA];
	_ =	sdelay $0x3  }
0x33: {  	p0 =	seq.s32 s10, $0x1;
	s10 =	sld [smem:$0x3FAC];
	_ =	sdelay $0x3  }
0x34: {  	[smem:$0x3FAC] =	sst s10  }
0x35: {  	s10 =	sld [smem:$0x3FAB];
	_ =	sdelay $0x3  }
0x36: {  	p1 =	seq.s32 s10, $0x1;
	s10 =	sld [smem:$0x3FAC];
	_ =	sdelay $0x3  }
0x37: {  	[smem:$0x3FAC] =	sst s10  }
0x38: {  	s10 =	sld [smem:$0x3FAD]  }
0x39: {  	_ = 	snop;
	(pc) =	sbr.ind lr, $3  }
0x3a: {  	_ = 	snop  }
0x3b: {  	_ = 	snop  }
0x3c: {  	p2 =	seq.s32 s10, $0x1;
	s10 =	sld [smem:$0x3FAC]  }
0x3d: {  	_ =	shalt  }
0x3e: {  	_ =	shalt  }
0x3f: {  	_ =	shalt  }
0x40: {  	_ =	shalt  }
0x41: {  	_ =	shalt  }
0x42: {  	_ =	shalt  }
0x43: {  	_ =	shalt  }
0x44: {  	_ =	shalt  }
0x45: {  	_ =	shalt  }
0x46: {  	_ =	shalt  }
0x47: {  	_ =	shalt  }
0x48: {  	_ =	shalt  }
0x49: {  	_ =	shalt  }
0x4a: {  	_ =	shalt  }
0x4b: {  	_ =	shalt  }
0x4c: {  	_ =	shalt  }
0x4d: {  	_ =	shalt  }
0x4e: {  	_ =	shalt  }
0x4f: {  	_ =	shalt  }
0x50: {  	_ =	shalt  }
0x51: {  	_ =	shalt  }
0x52: {  	_ =	shalt  }
0x53: {  	_ =	shalt  }
0x54: {  	_ =	shalt  }
0x55: {  	_ =	shalt  }
0x56: {  	_ =	shalt  }
0x57: {  	_ =	shalt  }
0x58: {  	_ =	shalt  }
0x59: {  	_ =	shalt  }
0x5a: {  	_ =	shalt  }
0x5b: {  	_ =	shalt  }
0x5c: {  	_ =	shalt  }
0x5d: {  	_ =	shalt  }
0x5e: {  	_ =	shalt  }
0x5f: {  	_ =	shalt  }
0x60: {  	_ =	shalt  }
0x61: {  	_ =	shalt  }
0x62: {  	_ =	shalt  }
0x63: {  	_ =	shalt  }
0x64: {  	_ =	shalt  }
0x65: {  	_ =	shalt  }
0x66: {  	_ =	shalt  }
0x67: {  	_ =	shalt  }
0x68: {  	_ =	shalt  }
0x69: {  	_ =	shalt  }
0x6a: {  	_ =	shalt  }
0x6b: {  	_ =	shalt  }
0x6c: {  	_ =	shalt  }
0x6d: {  	_ =	shalt  }
0x6e: {  	_ =	shalt  }
0x6f: {  	_ =	shalt  }
0x70: {  	_ =	shalt  }
0x71: {  	_ =	shalt  }
0x72: {  	_ =	shalt  }
0x73: {  	_ =	shalt  }
0x74: {  	_ =	shalt  }
0x75: {  	_ =	shalt  }
0x76: {  	_ =	shalt  }
0x77: {  	_ =	shalt  }
0x78: {  	_ =	shalt  }
0x79: {  	_ =	shalt  }
0x7a: {  	_ =	shalt  }
0x7b: {  	_ =	shalt  }
0x7c: {  	_ =	shalt  }
0x7d: {  	_ =	shalt  }
0x7e: {  	_ =	shalt  }
0x7f: {  	_ =	shalt  }
0x80: {  	_ =	shalt  }
0x81: {  	_ =	shalt  }
0x82: {  	_ =	shalt  }
0x83: {  	_ =	shalt  }
0x84: {  	_ =	shalt  }
0x85: {  	_ =	shalt  }
0x86: {  	_ =	shalt  }
0x87: {  	_ =	shalt  }
.Lfunc_end0:
.L_simem_size_0:
called_computation_lowered:
.L_overlay_start_0:
0x88: {  	s2 =	sld [smem:$0x3FD9]  }
0x89: {  	s3 =	sld [smem:$0x3FFE];
	_ =	sdelay $0x1  }
0x8a: {  	s1 =	srdreg.scid  }
0x8b: {  	s0 =	sand.u32 $0x1, s1  }
0x8c: {  	s14 =	sshll.u32 s0, $0xA;
	s2 =	sadd.s32 s3, s2  }
0x8d: {  	s2 =	sadd.s32 s2, s14  }
0x8e: {  	[smem:$0x3FB8] =	sst s2  }
0x8f: {  	_ = 	snop  }
0x90: {  	s2 =	sld [smem:$0x3FD0];
	_ =	sdelay $0x2  }
0x91: {  	s15 =	simm.s32 $0xA;
	s4 =	simm.s32 $0x10  }
0x92: {  	[smem:s4], [sflag:s15] =	dma.local [hbm:s2], $0x1  }
0x93: {  	_ =	swait.eq [sflag:s15], $0x1  }
0x94: {  	[sflag:s15] =	ssyncset.done $0x0  }
0x95: {  	s16 =	sld [smem:$0x10];
	[sflag:s15] =	ssyncadd.s32 $0xFFFFFFFF  }
0x96: {  	s17 =	sld [smem:$0x11];
	(tm) =	ssettm $0x1  }
0x97: {  	s18 =	sld [smem:$0x3FFB];
	_ =	sdelay $0x3  }
0x98: {  	_ =	strace s18  }
0x99: {  	s4 =	sld [smem:$0x3FFC];
	_ =	sdelay $0x3  }
0x9a: {  	_ =	strace s4  }
0x9b: {  	s4 =	sld [smem:$0x3FFD];
	_ =	sdelay $0x3  }
0x9c: {  	_ =	strace s4  }
0x9d: {  	_ =	strace $0x8FFFFFFF  }
0x9e: {  	s19 =	sld [smem:$0x3FDB];
	_ =	sdelay $0x1  }
0x9f: {  	s5 =	simm.s32 $_scs_section_size  }
0xa0: {  	s6 =	simm.s32 $_size__tile_overlayer_lowered;
	s7 =	simm.s32 $_tile_overlayer_lowered  }
0xa1: {  	s22 =	simm.s32 $0x1BFF;
	s21 =	sshll.u32 s7, $0x1;
	s4 =	sadd.s32 s5, s19  }
0xa2: {  	s8 =	simm.s32 $0x0;
	s20 =	sshll.u32 s6, $0x1;
	s6 =	sadd.s32 s21, s4  }
0xa3: {  	[timem:s8], [sflag:s22] =	dma.local [hbm:s6], s20  }
0xa4: {  	_ =	swait.ge [sflag:s22], s20  }
0xa5: {  	s5 =	ssub.s32 $0x0, s20;
	[sflag:s22] =	ssyncset.done $0x0  }
0xa6: {  	[sflag:s22] =	ssyncadd.s32 s5;
	_ =	sdelay $0x1  }
0xa7: {  	s23 =	simm.s32 $0x1B8B  }
0xa8: {  	_ =	swait.ge [sflag:s23], $0x1  }
0xa9: {  	[sflag:s23] =	ssyncset.done $0x0  }
0xaa: {  	s25 =	simm.s32 $0x1B8E;
	s24 =	sld [smem:$0x3FFE];
	[sflag:s23] =	ssyncadd.s32 $0xFFFFFFFF  }
0xab: {  	s26 =	simm.s32 $execute0_lowered;
	[smem:$0x3FD2] =	sst s25  }
0xac: {  	s6 =	sshll.u32 s26, $0x1;
	_ =	strace $0x80000046;
	[dreg:$0x1] =	wrdreg $0xFFFFFFFF  }
0xad: {  	s28 =	simm.s32 $_size_execute0_lowered;
	s4 =	sadd.s32 s4, s6;
	[dreg:$0x0] =	wrdreg $0x0  }
0xae: {  	s6 =	sshll.u32 s28, $0x1;
	[dreg:$0x2] =	wrdreg s4  }
0xaf: {  	[dreg:$0x3] =	wrdreg s6  }
0xb0: {  	[dreg:$0x4] =	wrdreg $0xC0  }
0xb1: {  	_ =	task [dreg:s8], $0x5FFFF  }
0xb2: {  	[dreg:$0x1] =	wrdreg $0xFFFFFFFF  }
0xb3: {  	[dreg:$0x0] =	wrdreg $0x60  }
0xb4: {  	[dreg:$0x2] =	wrdreg s24  }
0xb5: {  	[dreg:$0x3] =	wrdreg s16  }
0xb6: {  	[dreg:$0x4] =	wrdreg s17  }
0xb7: {  	[dreg:$0x5] =	wrdreg $0xC4400  }
0xb8: {  	[dreg:$0x6] =	wrdreg $0x169400  }
0xb9: {  	[dreg:$0x7] =	wrdreg $0x9  }
0xba: {  	_ =	task.clear_ibuf [dreg:s8], $0x8FFFF;
	_ =	strace $0x90000046  }
0xbb: {  	s29 =	simm.s32 $0x9;
	_ =	strace $0x80000048  }
0xbc: {  	_ =	swait.ge [sflag:s29], $0x1  }
0xbd: {  	[sflag:s29] =	ssyncadd.s32 $0xFFFFFFFF  }
0xbe: {  	_ =	strace $0x90000048  }
0xbf: {  	_ =	sfence  }
0xc0: {  	s30 =	sld [smem:$0x0];
	_ =	sdelay $0x2  }
0xc1: {  	s31 =	sshll.u32 s1, $0xD;
	s1 =	sshrl.u32 s1, $0x2  }
0xc2: {  	s3 =	sand.u32 $0x4000, s31;
	s1 =	sadd.s32 s1, s30  }
0xc3: {  	s0 =	sor.u32 s3, s0;
	s1 =	sshll.u32 s1, $0x11  }
0xc4: {  	s0 =	sor.u32 s1, s0  }
0xc5: {  	s0 =	sadd.s32 $0x8F2B, s0  }
0xc6: {  	[sflag:s0] =	ssyncadd.remote.s32 $0x1  }
0xc7: {  	_ =	sfence.sel $0xFFFF  }
0xc8: {  	[dreg:$0x0] =	wrdreg $0xFFFFFFFF;
	(pc) =	sbr.abs _section_cstart, $3  }
0xc9: {  	[dreg:$0x1] =	wrdreg $0xFFFFFFFF  }
0xca: {  	_ =	task.clear_ibuf [dreg:s8], $0x2FFFF;
	_ =	strace $0x9FFFFFFF  }
0xcb: {  	(tm) =	ssettm $0x7FFFFFFF  }
tec
execute0_lowered:
.L_overlay_start_1:
0x0: {  	(tag) =	ssettag $0x1  }
0x1: {  	s0 =	rddreg [dreg:$0x0]  }
0x2: {  	s4 =	rddreg [dreg:$0x3]  }
0x3: {  	s5 =	rddreg [dreg:$0x4]  }
0x4: {  	s6 =	simm.s32 $0x0;
	s3 =	stileid.u32;
	s2 =	srdreg.scid  }
0x5: {  	s28 =	simm.s32 $0x9C40;
	s29 =	simm.s32 $0xB040;
	s30 =	simm.s32 $0x1  }
0x6: {  	s31 =	simm.s32 $0x2;
	[smem:$0x7FF] =	sst s6;
	s1 =	smul.u32 $0x9C4, s3  }
0x7: {  	s7 =	sadd.s32 $0x2C200, s0;
	s8 =	sadd.s32 $0x3FC00, s0;
	s9 =	sadd.s32 $0x3600, s0  }
0x8: {  	s10 =	sadd.s32 $0x53800, s0;
	s2 =	sand.u32 $0x1, s2;
	s13 =	smul.u32 $0x14000, s3  }
0x9: {  	s11 =	sadd.s32 $0x53600, s0;
	s12 =	sadd.s32 $0x53E00, s0;
	s23 =	smul.u32 $0x2800, s3  }
0xa: {  	_ =	strace $0x80000047;
	[dreg:$0x6] =	wrdreg s12;
	s21 =	ssub.s32 $0x2, s2  }
0xb: {  	p0 =	seq.s32 s2, $0x1;
	s2 =	simm.s32 $0x9BF0;
	s1 =	sadd.s32 s1, s0  }
0xc: {  	s0 =	sadd.s32 $0x58E00, s0;
	s22 =	sshrl.u32 s21, $0x1;
	s26 =	sshrl.u32 s13, $0x1  }
0xd: {  	s17 =	sadd.s32 s23, s5;
	s18 =	sshrl.u32 s13, $0x4;
	s19 =	sshrl.u32 s23, $0x3  }
.Ltmp0:
0xe: {  	s23 =	simm.s32 $0x3;
	[dreg:$0x7] =	wrdreg s0;
	(pc) =	sbr.rel .LBB2_1-.Ltmp0, $4  }
0xf: {  	s0 =	ssub.s32 s21, s22;
	s24 =	sadd.s32 $0xE800, s1;
	s25 =	sadd.s32 $0x4A00, s1  }
0x10: {  	s16 =	sadd.s32 s26, s4;
	s20 =	sadd.s32 $0x22400, s1;
	s21 =	sadd.s32 $0x18600, s1  }
0x11: {  	s26 =	simm.s32 $0x50;
	s1 =	simm.s32 $0x9BA0;
	[dreg:$0x8] =	wrdreg s24  }
0x12: {  	[dreg:$0x9] =	wrdreg s25;
	s22 =	smax.u32 s0, $0x1;
	s25 =	simm.s32 $0x16440  }
.LBB2_7:
0x13: {  	s0 =	sadd.s32 $0x50, s13;
	[sflag:s23] =	ssyncadd.s32 $0xFFFFFB00  }
0x14: {  	[tilespmem:s29], [sflag:$0x2] =	stream.indirect.gather [hbm4b:s8+s26], $0x40, s0, s26, $0xb8;
	[tilespmem:$0x19140] =	vst v63  }
0x15: {  	_ =	swait.ge [sflag:s30], $0x1400  }
0x16: {  	[sflag:s30] =	ssyncset.done $0x0  }
0x17: {  	s24 =	sadd.s32 $0x4E20, s13;
	[sflag:s30] =	ssyncadd.s32 $0xFFFFEC00  }
0x18: {  	[spmem:s4] =	stream.indirect.scatter.add.bf16 [tilespmem:s28], [sflag:$0x3], $0x40, s24, s26, $0xb8;
	[tilespmem:$0x19140] =	vst v63  }
0x19: {  	_ =	swait.ge [sflag:s23], $0x1400  }
0x1a: {  	[sflag:s23] =	ssyncset.done $0x0  }
0x1b: {  	[sflag:s23] =	ssyncadd.s32 $0xFFFFEC00  }
0x1c: {  	[spmem:s5] =	stream.indirect.scatter.add.f32 [tilespmem:s25], [sflag:$0x3], $0x10, s24, s26, $0xb8;
	[tilespmem:$0x19140] =	vst v63  }
0x1d: {  	_ =	swait.ge [sflag:s23], $0x500  }
0x1e: {  	[sflag:s23] =	ssyncset.done $0x0  }
0x1f: {  	s14 =	sadd.s32 $0xA0, s13;
	[sflag:s23] =	ssyncadd.s32 $0xFFFFFB00  }
0x20: {  	[tilespmem:s28], [sflag:$0x1] =	stream.indirect.gather [hbm4b:s8+s26], $0x40, s14, s26, $0xb8;
	[tilespmem:$0x19140] =	vst v63  }
0x21: {  	_ =	swait.ge [sflag:s31], $0x1400  }
0x22: {  	[sflag:s31] =	ssyncset.done $0x0  }
0x23: {  	s15 =	sadd.s32 $0x4E70, s13;
	[sflag:s31] =	ssyncadd.s32 $0xFFFFEC00  }
0x24: {  	[spmem:s4] =	stream.indirect.scatter.add.bf16 [tilespmem:s29], [sflag:$0x3], $0x40, s15, s26, $0xb8;
	[tilespmem:$0x19140] =	vst v63  }
0x25: {  	_ =	swait.ge [sflag:s23], $0x1400  }
0x26: {  	[sflag:s23] =	ssyncset.done $0x0  }
0x27: {  	[sflag:s23] =	ssyncadd.s32 $0xFFFFEC00  }
0x28: {  	[spmem:s5] =	stream.indirect.scatter.add.f32 [tilespmem:s25], [sflag:$0x3], $0x10, s15, s26, $0xb8;
	[tilespmem:$0x19140] =	vst v63  }
0x29: {  	_ =	swait.ge [sflag:s23], $0x500  }
0x2a: {  	[sflag:s23] =	ssyncset.done $0x0  }
0x2b: {  	s24 =	simm.s32 $0x4DD0;
	s13 =	rddreg [dreg:$0x7];
	[sflag:s23] =	ssyncadd.s32 $0xFFFFFB00  }
0x2c: {  	[tilespmem:s29], [sflag:$0x2] =	stream.indirect.gather [hbm4b:s8+s26], $0x40, s24, s26, $0xb8;
	[tilespmem:$0x19140] =	vst v63  }
0x2d: {  	s24 =	rddreg [dreg:$0x2]  }
.LBB2_8:
0x2e: {  	_ =	swait.ge [sflag:s30], $0x1400  }
0x2f: {  	[sflag:s30] =	ssyncset.done $0x0  }
0x30: {  	[sflag:s30] =	ssyncadd.s32 $0xFFFFEC00  }
0x31: {  	[spmem:s4] =	stream.indirect.scatter.add.bf16 [tilespmem:s28], [sflag:$0x3], $0x40, s1, s26, $0xb8;
	[tilespmem:$0x19140] =	vst v63  }
0x32: {  	_ =	swait.ge [sflag:s23], $0x1400  }
0x33: {  	[sflag:s23] =	ssyncset.done $0x0  }
0x34: {  	[sflag:s23] =	ssyncadd.s32 $0xFFFFEC00  }
0x35: {  	[spmem:s5] =	stream.indirect.scatter.add.f32 [tilespmem:s25], [sflag:$0x3], $0x10, s1, s26, $0xb8;
	[tilespmem:$0x19140] =	vst v63  }
0x36: {  	_ =	swait.ge [sflag:s23], $0x500  }
0x37: {  	[sflag:s23] =	ssyncset.done $0x0  }
0x38: {  	[sflag:s23] =	ssyncadd.s32 $0xFFFFFB00  }
0x39: {  	_ =	swait.ge [sflag:s31], $0x1400  }
0x3a: {  	[sflag:s31] =	ssyncset.done $0x0  }
0x3b: {  	[sflag:s31] =	ssyncadd.s32 $0xFFFFEC00  }
0x3c: {  	[spmem:s4] =	stream.indirect.scatter.add.bf16 [tilespmem:s29], [sflag:$0x3], $0x40, s2, s26, $0xb8;
	[tilespmem:$0x19140] =	vst v63  }
0x3d: {  	_ =	swait.ge [sflag:s23], $0x1400  }
0x3e: {  	[sflag:s23] =	ssyncset.done $0x0  }
0x3f: {  	[sflag:s23] =	ssyncadd.s32 $0xFFFFEC00  }
0x40: {  	[spmem:s5] =	stream.indirect.scatter.add.f32 [tilespmem:s25], [sflag:$0x3], $0x10, s2, s26, $0xb8;
	[tilespmem:$0x19140] =	vst v63  }
0x41: {  	_ =	swait.ge [sflag:s23], $0x500  }
0x42: {  	[sflag:s23] =	ssyncset.done $0x0  }
0x43: {  	[sflag:s23] =	ssyncadd.s32 $0xFFFFFB00  }
0x44: {  	s0 =	sadd.s32 s24, s18;
	s14 =	sshrl.u32 s16, $0x3;
	[bflag:$0x0] =	sbarrier.arrive $0xFFFF  }
0x45: {  	[hbm:s0], [sflag:s12] =	dma.local [spmem:s14], $0x1400  }
0x46: {  	s6 =	sadd.s32 $0x1, s6;
	_ =	swait.ge [sflag:s23], $0x1400  }
0x47: {  	s15 =	sadd.s32 s13, s19;
	p1 =	sne.s32 s6, s22;
	[sflag:s23] =	ssyncset.done $0x0  }
.Ltmp1:
0x48: {  	s24 =	sshrl.u32 s17, $0x3;
	[sflag:s23] =	ssyncadd.s32 $0xFFFFEC00;
	(pc) =	sbr.rel @!p1 .LBB2_9-.Ltmp1, $4  }
0x49: {  	[hbm:s15], [sflag:s12] =	dma.local [spmem:s24], $0x500  }
0x4a: {  	_ =	swait.ge [sflag:s23], $0x500  }
0x4b: {  	[sflag:s23] =	ssyncset.done $0x0  }
0x4c: {  	[sflag:s23] =	ssyncadd.s32 $0xFFFFFB00  }
.LBB2_1:
.Ltmp2:
0x4d: {  	(pc) =	sbr.rel @!p0 .LBB2_2-.Ltmp2, $1  }
0x4e: {  	_ =	sdelay $0x3  }
0x4f: {  	s0 =	simm.s32 $0x0  }
0x50: {  	[tilespmem:s0], [sflag:$0x3] =	stream.linear.gather [hbm4b:s20+s0], $0x4E20, $0x38;
	[tilespmem:$0x19140] =	vst v63  }
0x51: {  	_ =	swait.ge [sflag:s23], $0x4E20  }
0x52: {  	[sflag:s23] =	ssyncset.done $0x0  }
0x53: {  	s12 =	simm.s32 $0x4E20;
	[sflag:s23] =	ssyncadd.s32 $0xFFFFB1E0  }
0x54: {  	[tilespmem:s12], [sflag:$0x3] =	stream.linear.gather [hbm4b:s21+s0], $0x4E20, $0x38;
	[tilespmem:$0x19140] =	vst v63  }
0x55: {  	_ =	swait.ge [sflag:s23], $0x4E20  }
0x56: {  	s15 =	sshll.u32 s3, $0x6;
	[sflag:s23] =	ssyncset.done $0x0  }
0x57: {  	s13 =	sshrl.u32 s16, $0x3;
	s12 =	sor.u32 $0x1C03, s15;
	[sflag:s23] =	ssyncadd.s32 $0xFFFFB1E0  }
0x58: {  	[spmem:s13], [sflag:s12] =	dma.local [hbm:s9], $0x1400  }
0x59: {  	_ =	swait.ge [sflag:s23], $0x1400  }
0x5a: {  	[sflag:s23] =	ssyncset.done $0x0  }
0x5b: {  	[sflag:s23] =	ssyncadd.s32 $0xFFFFEC00  }
0x5c: {  	[tilespmem:s25], [sflag:$0x3] =	stream.linear.gather [hbm4b:s11+s0], $0x500, $0x38;
	[tilespmem:$0x19140] =	vst v63  }
0x5d: {  	_ =	swait.ge [sflag:s23], $0x500  }
0x5e: {  	[sflag:s23] =	ssyncset.done $0x0  }
0x5f: {  	s24 =	sshrl.u32 s17, $0x3;
	[sflag:s23] =	ssyncadd.s32 $0xFFFFFB00  }
0x60: {  	[spmem:s24], [sflag:s12] =	dma.local [hbm:s10], $0x500  }
0x61: {  	_ =	swait.ge [sflag:s23], $0x500  }
0x62: {  	[sflag:s23] =	ssyncset.done $0x0  }
0x63: {  	[sflag:s23] =	ssyncadd.s32 $0xFFFFFB00  }
0x64: {  	[bflag:$0x0] =	sbarrier.arrive $0xFFFF  }
0x65: {  	[tilespmem:s28], [sflag:$0x1] =	stream.indirect.gather [hbm4b:s8+s26], $0x40, s0, s26, $0xb8;
	[tilespmem:$0x19140] =	vst v63  }
0x66: {  	s13 =	simm.s32 $0x50  }
0x67: {  	[tilespmem:s29], [sflag:$0x2] =	stream.indirect.gather [hbm4b:s8+s26], $0x40, s13, s26, $0xb8;
	[tilespmem:$0x19140] =	vst v63  }
0x68: {  	_ =	swait.ge [sflag:s30], $0x1400  }
0x69: {  	[sflag:s30] =	ssyncset.done $0x0  }
0x6a: {  	s14 =	simm.s32 $0x4E20;
	[sflag:s30] =	ssyncadd.s32 $0xFFFFEC00  }
0x6b: {  	[spmem:s4] =	stream.indirect.scatter.add.bf16 [tilespmem:s28], [sflag:$0x3], $0x40, s14, s26, $0xb8;
	[tilespmem:$0x19140] =	vst v63  }
0x6c: {  	_ =	swait.ge [sflag:s23], $0x1400  }
0x6d: {  	[sflag:s23] =	ssyncset.done $0x0  }
0x6e: {  	[sflag:s23] =	ssyncadd.s32 $0xFFFFEC00  }
0x6f: {  	[spmem:s5] =	stream.indirect.scatter.add.f32 [tilespmem:s25], [sflag:$0x3], $0x10, s14, s26, $0xb8;
	[tilespmem:$0x19140] =	vst v63  }
0x70: {  	_ =	swait.ge [sflag:s23], $0x500  }
0x71: {  	[sflag:s23] =	ssyncset.done $0x0  }
0x72: {  	s15 =	simm.s32 $0xA0;
	[sflag:s23] =	ssyncadd.s32 $0xFFFFFB00  }
0x73: {  	[tilespmem:s28], [sflag:$0x1] =	stream.indirect.gather [hbm4b:s8+s26], $0x40, s15, s26, $0xb8;
	[tilespmem:$0x19140] =	vst v63  }
0x74: {  	_ =	swait.ge [sflag:s31], $0x1400  }
0x75: {  	[sflag:s31] =	ssyncset.done $0x0  }
0x76: {  	s24 =	simm.s32 $0x4E70;
	[sflag:s31] =	ssyncadd.s32 $0xFFFFEC00  }
0x77: {  	[spmem:s4] =	stream.indirect.scatter.add.bf16 [tilespmem:s29], [sflag:$0x3], $0x40, s24, s26, $0xb8;
	[tilespmem:$0x19140] =	vst v63  }
0x78: {  	_ =	swait.ge [sflag:s23], $0x1400  }
0x79: {  	[sflag:s23] =	ssyncset.done $0x0  }
0x7a: {  	[sflag:s23] =	ssyncadd.s32 $0xFFFFEC00  }
0x7b: {  	[spmem:s5] =	stream.indirect.scatter.add.f32 [tilespmem:s25], [sflag:$0x3], $0x10, s24, s26, $0xb8;
	[tilespmem:$0x19140] =	vst v63  }
0x7c: {  	_ =	swait.ge [sflag:s23], $0x500  }
0x7d: {  	s13 =	simm.s32 $0xA0;
	s24 =	simm.s32 $0x500;
	[sflag:s23] =	ssyncset.done $0x0  }
.LBB2_6:
0x7e: {  	s0 =	sadd.s32 $0x50, s13  }
0x7f: {  	[sflag:s23] =	ssyncadd.s32 $0xFFFFFB00;
	s14 =	smov.u32 s24;
	s15 =	sadd.s32 $0x280, s24  }
0x80: {  	[tilespmem:s29], [sflag:$0x2] =	stream.indirect.gather [hbm4b:s8+s26], $0x40, s0, s26, $0xb8;
	[tilespmem:$0x19140] =	vst v63  }
0x81: {  	p1 =	sne.s32 s24, $0x13380;
	_ =	swait.ge [sflag:s30], $0x1400  }
0x82: {  	[sflag:s30] =	ssyncset.done $0x0  }
0x83: {  	s0 =	sadd.s32 $0x4E20, s13;
	[sflag:s30] =	ssyncadd.s32 $0xFFFFEC00  }
0x84: {  	[spmem:s4] =	stream.indirect.scatter.add.bf16 [tilespmem:s28], [sflag:$0x3], $0x40, s0, s26, $0xb8;
	[tilespmem:$0x19140] =	vst v63  }
0x85: {  	_ =	swait.ge [sflag:s23], $0x1400  }
0x86: {  	[sflag:s23] =	ssyncset.done $0x0  }
0x87: {  	[sflag:s23] =	ssyncadd.s32 $0xFFFFEC00  }
0x88: {  	[spmem:s5] =	stream.indirect.scatter.add.f32 [tilespmem:s25], [sflag:$0x3], $0x10, s0, s26, $0xb8;
	[tilespmem:$0x19140] =	vst v63  }
0x89: {  	_ =	swait.ge [sflag:s23], $0x500  }
0x8a: {  	[sflag:s23] =	ssyncset.done $0x0  }
0x8b: {  	s0 =	sadd.s32 $0xA0, s13;
	[sflag:s23] =	ssyncadd.s32 $0xFFFFFB00  }
0x8c: {  	[tilespmem:s28], [sflag:$0x1] =	stream.indirect.gather [hbm4b:s8+s26], $0x40, s0, s26, $0xb8;
	[tilespmem:$0x19140] =	vst v63  }
0x8d: {  	_ =	swait.ge [sflag:s31], $0x1400  }
0x8e: {  	[sflag:s31] =	ssyncset.done $0x0  }
0x8f: {  	s0 =	sadd.s32 $0x4E70, s13;
	[sflag:s31] =	ssyncadd.s32 $0xFFFFEC00  }
0x90: {  	[spmem:s4] =	stream.indirect.scatter.add.bf16 [tilespmem:s29], [sflag:$0x3], $0x40, s0, s26, $0xb8;
	[tilespmem:$0x19140] =	vst v63  }
0x91: {  	_ =	swait.ge [sflag:s23], $0x1400  }
.Ltmp3:
0x92: {  	[sflag:s23] =	ssyncset.done $0x0;
	(pc) =	sbr.rel @p1 .LBB2_6-.Ltmp3, $4  }
0x93: {  	[sflag:s23] =	ssyncadd.s32 $0xFFFFEC00  }
0x94: {  	[spmem:s5] =	stream.indirect.scatter.add.f32 [tilespmem:s25], [sflag:$0x3], $0x10, s0, s26, $0xb8;
	[tilespmem:$0x19140] =	vst v63  }
0x95: {  	_ =	swait.ge [sflag:s23], $0x500  }
0x96: {  	s24 =	smov.u32 s15;
	s13 =	sshra.s32 s14, $0x2;
	[sflag:s23] =	ssyncset.done $0x0  }
.Ltmp4:
0x97: {  	_ = 	snop;
	(pc) =	sbr.rel .LBB2_7-.Ltmp4, $1  }
0x98: {  	_ =	sdelay $0x3  }
.LBB2_2:
0x99: {  	s13 =	simm.s32 $0x0;
	s0 =	rddreg [dreg:$0x8]  }
0x9a: {  	[tilespmem:s13], [sflag:$0x3] =	stream.linear.gather [hbm4b:s0+s13], $0x4E20, $0x38;
	[tilespmem:$0x19140] =	vst v63  }
0x9b: {  	_ =	swait.ge [sflag:s23], $0x4E20  }
0x9c: {  	[sflag:s23] =	ssyncset.done $0x0  }
0x9d: {  	s12 =	simm.s32 $0x4E20;
	s24 =	rddreg [dreg:$0x9];
	[sflag:s23] =	ssyncadd.s32 $0xFFFFB1E0  }
0x9e: {  	[tilespmem:s12], [sflag:$0x3] =	stream.linear.gather [hbm4b:s24+s13], $0x4E20, $0x38;
	[tilespmem:$0x19140] =	vst v63  }
0x9f: {  	_ =	swait.ge [sflag:s23], $0x4E20  }
0xa0: {  	s14 =	sshll.u32 s3, $0x6;
	[sflag:s23] =	ssyncset.done $0x0  }
0xa1: {  	s12 =	sor.u32 $0x1C03, s14;
	s24 =	sshrl.u32 s16, $0x3;
	[sflag:s23] =	ssyncadd.s32 $0xFFFFB1E0  }
0xa2: {  	[spmem:s24], [sflag:s12] =	dma.local [hbm:s9], $0x1400  }
0xa3: {  	_ =	swait.ge [sflag:s23], $0x1400  }
0xa4: {  	[sflag:s23] =	ssyncset.done $0x0  }
0xa5: {  	[sflag:s23] =	ssyncadd.s32 $0xFFFFEC00  }
0xa6: {  	[tilespmem:s25], [sflag:$0x3] =	stream.linear.gather [hbm4b:s11+s13], $0x500, $0x38;
	[tilespmem:$0x19140] =	vst v63  }
0xa7: {  	_ =	swait.ge [sflag:s23], $0x500  }
0xa8: {  	[sflag:s23] =	ssyncset.done $0x0  }
0xa9: {  	s15 =	sshrl.u32 s17, $0x3;
	[sflag:s23] =	ssyncadd.s32 $0xFFFFFB00  }
0xaa: {  	[spmem:s15], [sflag:s12] =	dma.local [hbm:s10], $0x500  }
0xab: {  	_ =	swait.ge [sflag:s23], $0x500  }
0xac: {  	[sflag:s23] =	ssyncset.done $0x0  }
0xad: {  	[sflag:s23] =	ssyncadd.s32 $0xFFFFFB00  }
0xae: {  	[bflag:$0x0] =	sbarrier.arrive $0xFFFF  }
0xaf: {  	[tilespmem:s28], [sflag:$0x1] =	stream.indirect.gather [hbm4b:s7+s26], $0x40, s13, s26, $0xb8;
	[tilespmem:$0x19140] =	vst v63  }
0xb0: {  	s0 =	simm.s32 $0x50  }
0xb1: {  	[tilespmem:s29], [sflag:$0x2] =	stream.indirect.gather [hbm4b:s7+s26], $0x40, s0, s26, $0xb8;
	[tilespmem:$0x19140] =	vst v63  }
0xb2: {  	_ =	swait.ge [sflag:s30], $0x1400  }
0xb3: {  	[sflag:s30] =	ssyncset.done $0x0  }
0xb4: {  	s14 =	simm.s32 $0x4E20;
	[sflag:s30] =	ssyncadd.s32 $0xFFFFEC00  }
0xb5: {  	[spmem:s4] =	stream.indirect.scatter.add.bf16 [tilespmem:s28], [sflag:$0x3], $0x40, s14, s26, $0xb8;
	[tilespmem:$0x19140] =	vst v63  }
0xb6: {  	_ =	swait.ge [sflag:s23], $0x1400  }
0xb7: {  	[sflag:s23] =	ssyncset.done $0x0  }
0xb8: {  	[sflag:s23] =	ssyncadd.s32 $0xFFFFEC00  }
0xb9: {  	[spmem:s5] =	stream.indirect.scatter.add.f32 [tilespmem:s25], [sflag:$0x3], $0x10, s14, s26, $0xb8;
	[tilespmem:$0x19140] =	vst v63  }
0xba: {  	_ =	swait.ge [sflag:s23], $0x500  }
0xbb: {  	[sflag:s23] =	ssyncset.done $0x0  }
0xbc: {  	s15 =	simm.s32 $0xA0;
	[sflag:s23] =	ssyncadd.s32 $0xFFFFFB00  }
0xbd: {  	[tilespmem:s28], [sflag:$0x1] =	stream.indirect.gather [hbm4b:s7+s26], $0x40, s15, s26, $0xb8;
	[tilespmem:$0x19140] =	vst v63  }
0xbe: {  	_ =	swait.ge [sflag:s31], $0x1400  }
0xbf: {  	[sflag:s31] =	ssyncset.done $0x0  }
0xc0: {  	s24 =	simm.s32 $0x4E70;
	[sflag:s31] =	ssyncadd.s32 $0xFFFFEC00  }
0xc1: {  	[spmem:s4] =	stream.indirect.scatter.add.bf16 [tilespmem:s29], [sflag:$0x3], $0x40, s24, s26, $0xb8;
	[tilespmem:$0x19140] =	vst v63  }
0xc2: {  	_ =	swait.ge [sflag:s23], $0x1400  }
0xc3: {  	[sflag:s23] =	ssyncset.done $0x0  }
0xc4: {  	[sflag:s23] =	ssyncadd.s32 $0xFFFFEC00  }
0xc5: {  	[spmem:s5] =	stream.indirect.scatter.add.f32 [tilespmem:s25], [sflag:$0x3], $0x10, s24, s26, $0xb8;
	[tilespmem:$0x19140] =	vst v63  }
0xc6: {  	_ =	swait.ge [sflag:s23], $0x500  }
0xc7: {  	s13 =	simm.s32 $0xA0;
	s24 =	simm.s32 $0x500;
	[sflag:s23] =	ssyncset.done $0x0  }
.LBB2_3:
0xc8: {  	s14 =	sadd.s32 $0x50, s13  }
0xc9: {  	[sflag:s23] =	ssyncadd.s32 $0xFFFFFB00;
	s15 =	smov.u32 s24;
	s0 =	sadd.s32 $0x280, s24  }
0xca: {  	[tilespmem:s29], [sflag:$0x2] =	stream.indirect.gather [hbm4b:s7+s26], $0x40, s14, s26, $0xb8;
	[tilespmem:$0x19140] =	vst v63  }
0xcb: {  	p1 =	sne.s32 s24, $0x13380;
	_ =	swait.ge [sflag:s30], $0x1400  }
0xcc: {  	[sflag:s30] =	ssyncset.done $0x0  }
0xcd: {  	s14 =	sadd.s32 $0x4E20, s13;
	[sflag:s30] =	ssyncadd.s32 $0xFFFFEC00  }
0xce: {  	[spmem:s4] =	stream.indirect.scatter.add.bf16 [tilespmem:s28], [sflag:$0x3], $0x40, s14, s26, $0xb8;
	[tilespmem:$0x19140] =	vst v63  }
0xcf: {  	_ =	swait.ge [sflag:s23], $0x1400  }
0xd0: {  	[sflag:s23] =	ssyncset.done $0x0  }
0xd1: {  	[sflag:s23] =	ssyncadd.s32 $0xFFFFEC00  }
0xd2: {  	[spmem:s5] =	stream.indirect.scatter.add.f32 [tilespmem:s25], [sflag:$0x3], $0x10, s14, s26, $0xb8;
	[tilespmem:$0x19140] =	vst v63  }
0xd3: {  	_ =	swait.ge [sflag:s23], $0x500  }
0xd4: {  	[sflag:s23] =	ssyncset.done $0x0  }
0xd5: {  	s14 =	sadd.s32 $0xA0, s13;
	[sflag:s23] =	ssyncadd.s32 $0xFFFFFB00  }
0xd6: {  	[tilespmem:s28], [sflag:$0x1] =	stream.indirect.gather [hbm4b:s7+s26], $0x40, s14, s26, $0xb8;
	[tilespmem:$0x19140] =	vst v63  }
0xd7: {  	_ =	swait.ge [sflag:s31], $0x1400  }
0xd8: {  	[sflag:s31] =	ssyncset.done $0x0  }
0xd9: {  	s13 =	sadd.s32 $0x4E70, s13;
	[sflag:s31] =	ssyncadd.s32 $0xFFFFEC00  }
0xda: {  	[spmem:s4] =	stream.indirect.scatter.add.bf16 [tilespmem:s29], [sflag:$0x3], $0x40, s13, s26, $0xb8;
	[tilespmem:$0x19140] =	vst v63  }
0xdb: {  	_ =	swait.ge [sflag:s23], $0x1400  }
.Ltmp5:
0xdc: {  	[sflag:s23] =	ssyncset.done $0x0;
	(pc) =	sbr.rel @p1 .LBB2_3-.Ltmp5, $4  }
0xdd: {  	[sflag:s23] =	ssyncadd.s32 $0xFFFFEC00  }
0xde: {  	[spmem:s5] =	stream.indirect.scatter.add.f32 [tilespmem:s25], [sflag:$0x3], $0x10, s13, s26, $0xb8;
	[tilespmem:$0x19140] =	vst v63  }
0xdf: {  	_ =	swait.ge [sflag:s23], $0x500  }
0xe0: {  	s24 =	smov.u32 s0;
	s13 =	sshra.s32 s15, $0x2;
	[sflag:s23] =	ssyncset.done $0x0  }
0xe1: {  	s0 =	sadd.s32 $0x50, s13;
	[sflag:s23] =	ssyncadd.s32 $0xFFFFFB00  }
0xe2: {  	[tilespmem:s29], [sflag:$0x2] =	stream.indirect.gather [hbm4b:s7+s26], $0x40, s0, s26, $0xb8;
	[tilespmem:$0x19140] =	vst v63  }
0xe3: {  	_ =	swait.ge [sflag:s30], $0x1400  }
0xe4: {  	[sflag:s30] =	ssyncset.done $0x0  }
0xe5: {  	s24 =	sadd.s32 $0x4E20, s13;
	[sflag:s30] =	ssyncadd.s32 $0xFFFFEC00  }
0xe6: {  	[spmem:s4] =	stream.indirect.scatter.add.bf16 [tilespmem:s28], [sflag:$0x3], $0x40, s24, s26, $0xb8;
	[tilespmem:$0x19140] =	vst v63  }
0xe7: {  	_ =	swait.ge [sflag:s23], $0x1400  }
0xe8: {  	[sflag:s23] =	ssyncset.done $0x0  }
0xe9: {  	[sflag:s23] =	ssyncadd.s32 $0xFFFFEC00  }
0xea: {  	[spmem:s5] =	stream.indirect.scatter.add.f32 [tilespmem:s25], [sflag:$0x3], $0x10, s24, s26, $0xb8;
	[tilespmem:$0x19140] =	vst v63  }
0xeb: {  	_ =	swait.ge [sflag:s23], $0x500  }
0xec: {  	[sflag:s23] =	ssyncset.done $0x0  }
0xed: {  	s14 =	sadd.s32 $0xA0, s13;
	[sflag:s23] =	ssyncadd.s32 $0xFFFFFB00  }
0xee: {  	[tilespmem:s28], [sflag:$0x1] =	stream.indirect.gather [hbm4b:s7+s26], $0x40, s14, s26, $0xb8;
	[tilespmem:$0x19140] =	vst v63  }
0xef: {  	_ =	swait.ge [sflag:s31], $0x1400  }
0xf0: {  	[sflag:s31] =	ssyncset.done $0x0  }
0xf1: {  	s15 =	sadd.s32 $0x4E70, s13;
	[sflag:s31] =	ssyncadd.s32 $0xFFFFEC00  }
0xf2: {  	[spmem:s4] =	stream.indirect.scatter.add.bf16 [tilespmem:s29], [sflag:$0x3], $0x40, s15, s26, $0xb8;
	[tilespmem:$0x19140] =	vst v63  }
0xf3: {  	_ =	swait.ge [sflag:s23], $0x1400  }
0xf4: {  	[sflag:s23] =	ssyncset.done $0x0  }
0xf5: {  	[sflag:s23] =	ssyncadd.s32 $0xFFFFEC00  }
0xf6: {  	[spmem:s5] =	stream.indirect.scatter.add.f32 [tilespmem:s25], [sflag:$0x3], $0x10, s15, s26, $0xb8;
	[tilespmem:$0x19140] =	vst v63  }
.Ltmp6:
0xf7: {  	_ =	swait.ge [sflag:s23], $0x500;
	(pc) =	sbr.rel .LBB2_8-.Ltmp6, $4  }
0xf8: {  	[sflag:s23] =	ssyncset.done $0x0  }
0xf9: {  	s24 =	simm.s32 $0x4DD0;
	s13 =	rddreg [dreg:$0x6];
	[sflag:s23] =	ssyncadd.s32 $0xFFFFFB00  }
0xfa: {  	[tilespmem:s29], [sflag:$0x2] =	stream.indirect.gather [hbm4b:s7+s26], $0x40, s24, s26, $0xb8;
	[tilespmem:$0x19140] =	vst v63  }
0xfb: {  	s24 =	rddreg [dreg:$0x1]  }
.LBB2_9:
0xfc: {  	_ =	sfence.sel $0x180000  }
0xfd: {  	[bflag:$0x0] =	sbarrier.arrive $0xFFFF  }
0xfe: {  	_ =	strace $0x90000047  }
0xff: {  	[bflag:$0x2] =	sbarrier.arrive $0xFFFF  }
0x100: {  	p0 =	sne.s32 s3, $0x0;
	s0 =	rddreg [dreg:$0x5]  }
0x101: {  	s0 =	sadd.s32 @!p0 $0x100000, s0  }
0x102: {  	[sflag:s0] =	ssyncadd.tile.s32 @!p0 $0x1;
	_ =	shalt  }
.Lfunc_end2:
_tile_overlayer_lowered:
.L_overlay_start_2:
0x103: {  	(tag) =	ssettag $0x2  }
0x104: {  	s0 =	rddreg [dreg:$0x0];
	s2 =	stileid.u32  }
0x105: {  	s1 =	rddreg [dreg:$0x1];
	p0 =	sne.s32 s2, $0x0  }
0x106: {  	s3 =	rddreg [dreg:$0x2];
	[bflag:$0x3] =	sbarrier.arrive $0xFFFF;
	s2 =	simm.s32 @!p0 $0x1C03  }
0x107: {  	[timem:s3], [sflag:s2] =	dma.local @!p0 [hbm:s0], s1  }
0x108: {  	s0 =	simm.s32 @!p0 $0x3  }
0x109: {  	_ =	swait.ge @!p0 [sflag:s0], s1  }
0x10a: {  	s1 =	ssub.s32 @!p0 $0x0, s1;
	[sflag:s0] =	ssyncset.done @!p0 $0x0  }
0x10b: {  	[sflag:s0] =	ssyncadd.s32 @!p0 s1  }
0x10c: {  	[bflag:$0x3] =	sbarrier.arrive $0xFFFF  }
0x10d: {  	_ =	shalt  }

</sc_bundles>
